<compile_context>
chip_gen: v7x
topology: tpu7x:2x2x1
jax: 0.10.2.dev20260603
libtpu: 0.0.44.dev20260713+nightly
codegen_flags: <defaults>
</compile_context>

<pallas_src>
import functools

import jax
import jax.numpy as jnp
import numpy as np
from jax import lax
from jax.experimental import pallas as pl
from jax.experimental.pallas import tpu as pltpu
from jax.experimental.pallas import tpu_sc as plsc

B, C, D, H, W = 16, 1, 32, 256, 256
NUM_DEPTH = 28


def _tf2x32(k1, k2, x1, x2):
    rot1 = (13, 15, 26, 6)
    rot2 = (17, 29, 16, 24)
    ks = [np.uint32(k1), np.uint32(k2),
          np.uint32(k1) ^ np.uint32(k2) ^ np.uint32(0x1BD11BDA)]
    x = [x1.astype(np.uint32) + ks[0], x2.astype(np.uint32) + ks[1]]

    def rotl(v, d):
        return (v << np.uint32(d)) | (v >> np.uint32(32 - d))

    def rounds(x, rots):
        for r in rots:
            x[0] = x[0] + x[1]
            x[1] = x[0] ^ rotl(x[1], r)
        return x

    for i, rots in enumerate((rot1, rot2, rot1, rot2, rot1)):
        x = rounds(x, rots)
        x[0] = x[0] + ks[(i + 1) % 3]
        x[1] = x[1] + ks[(i + 2) % 3] + np.uint32(i + 1)
    return x


def _rand_slice_indices():
    old = np.seterr(over="ignore")
    try:
        b1, b2 = _tf2x32(0, 42, np.zeros(2, np.uint32),
                         np.arange(2, dtype=np.uint32))
        zhi = np.zeros(B, np.uint32)
        zlo = np.arange(B, dtype=np.uint32)
        h1, h2 = _tf2x32(b1[0], b2[0], zhi, zlo)
        l1, l2 = _tf2x32(b1[1], b2[1], zhi, zlo)
        higher, lower = h1 ^ h2, l1 ^ l2
        span = np.uint32(NUM_DEPTH)
        mult = np.uint32(2 ** 16) % span
        mult = (mult * mult) % span
        off = ((higher % span) * mult + lower % span) % span
    finally:
        np.seterr(**old)
    return off.astype(np.int32)


_IDX = _rand_slice_indices()
_ROWS = [int(b * D + _IDX[b]) for b in range(B)]


NW = 32
HH = H // 2


@functools.partial(
    pl.kernel,
    out_type=jax.ShapeDtypeStruct((2 * B, HH, W), jnp.float32),
    scratch_types=[
        pltpu.VMEM((1, HH, W), jnp.float32),
        pltpu.SemaphoreType.DMA,
    ],
    mesh=plsc.VectorSubcoreMesh(core_axis_name="c", subcore_axis_name="s"),
)
def _rand_slice_sc(img4, out, slab_v, sem):
    wid = lax.axis_index("s") * 2 + lax.axis_index("c")
    for w in range(NW):
        @pl.when(wid == w)
        def _():
            row = _ROWS[w // 2] * 2 + (w % 2)
            pltpu.async_copy(img4.at[pl.ds(row, 1)], slab_v, sem).wait()
            pltpu.sync_copy(slab_v, out.at[pl.ds(w, 1)])


def kernel(img):
    img4 = img.reshape(B * C * D * 2, HH, W)
    out4 = _rand_slice_sc(img4)
    return out4.reshape(B, C, H, W)

# --- scband reference (transcript-rebuilt; emitter-appended) ---
"""Pipeline reference for scband-rand-slice-82592221102599 (READ-ONLY COPY).

The authoritative reference and input builder live on the scoring server;
editing this copy changes nothing except your own understanding.
"""

import jax, jax.numpy as jnp
import numpy as np


def setup_inputs(seed: int = 0) -> dict:
    key = jax.random.key(seed)
    img = jax.random.normal(key, (16, 1, 32, 256, 256), dtype=jnp.float32)
    return {"img": img}


def reference(img):
    # RandSlice with p=1.0: the branch is always taken.
    # For each batch element i, pick a random depth index s in [0, 28)
    # and gather the slice img[i, :, s, :, :].
    # The torch module uses np.random.randint per element; here we use a
    # fixed-seed jax PRNG so the computation is deterministic.
    B = img.shape[0]
    idx = jax.random.randint(jax.random.key(42), (B,), 0, 28)
    # gather along the depth axis (axis=2)
    idx_b = idx[:, None, None, None, None]  # [B,1,1,1,1]
    s_img = jnp.take_along_axis(img, idx_b, axis=2)  # [B, C, 1, H, W]
    s_img = s_img[:, :, 0, :, :]  # [B, C, H, W]
    return s_img.astype(jnp.float32)

if __name__ == "__main__":
    import jax
    _d = setup_inputs()
    print(jax.jit(kernel)(*tuple(_d.values())))

</pallas_src>

<mosaic_0001>
#map = affine_map<(d0, d1) -> (0, 0, 0)>
module attributes {stable_mosaic.version = 14 : i64} {
  func.func @_rand_slice_sc(%arg0: i32, %arg1: i32, %arg2: memref<1024x128x256xf32, #tpu.memory_space<hbm>>, %arg3: memref<32x128x256xf32, #tpu.memory_space<hbm>>, %arg4: memref<1x128x256xf32, #tpu.memory_space<vmem>>, %arg5: memref<!tpu.dma_semaphore, #tpu.memory_space<semaphore_mem>>) attributes {dimension_semantics = [#tpu.dimension_semantics<core_parallel>, #tpu.dimension_semantics<subcore_parallel>], iteration_bounds = array<i64: 2, 16>, scalar_prefetch = 0 : i64, scratch_operands = 2 : i64, tpu.core_type = #tpu.core_type<sc_vector_subcore>, window_params = [{transform_indices = #map}, {transform_indices = #map}]} {
    %mul3A = arith.constant 2 : i32
    %mul3A_0 = arith.muli %arg1, %mul3A : i32
    %add3A = arith.addi %mul3A_0, %arg0 : i32
    %eq3A = arith.constant 0 : i32
    %eq3A_1 = arith.cmpi eq, %add3A, %eq3A : i32
    %convert_element_type3A = arith.extui %eq3A_1 : i1 to i32
    %cond3A = arith.constant 0 : i32
    %cond3A_2 = arith.cmpi ne, %convert_element_type3A, %cond3A : i32
    scf.if %cond3A_2 {
      %dma_start3A = arith.constant 16 : i32
      %dma_start3A_158 = arith.constant 0 : i32
      %dma_start3A_159 = arith.constant 0 : i32
      %dma_start3A_160 = tpu.memref_slice %arg2[%dma_start3A, %dma_start3A_158, %dma_start3A_159] : memref<1024x128x256xf32, #tpu.memory_space<hbm>> -> memref<1x128x256xf32, #tpu.memory_space<hbm>>
      %dma_start3A_161 = arith.constant 16 : i32
      %dma_start3A_162 = arith.constant 0 : i32
      %dma_start3A_163 = arith.constant 0 : i32
      %dma_start3A_164 = tpu.memref_slice %arg2[%dma_start3A_161, %dma_start3A_162, %dma_start3A_163] : memref<1024x128x256xf32, #tpu.memory_space<hbm>> -> memref<1x128x256xf32, #tpu.memory_space<hbm>>
      tpu.enqueue_dma source(%dma_start3A_164 : memref<1x128x256xf32, #tpu.memory_space<hbm>>) target(%arg4 : memref<1x128x256xf32, #tpu.memory_space<vmem>>) target_semaphore(%arg5 : memref<!tpu.dma_semaphore, #tpu.memory_space<semaphore_mem>>)
      %dma_wait3A = arith.constant 16 : i32
      %dma_wait3A_165 = arith.constant 0 : i32
      %dma_wait3A_166 = arith.constant 0 : i32
      %dma_wait3A_167 = tpu.memref_slice %arg2[%dma_wait3A, %dma_wait3A_165, %dma_wait3A_166] : memref<1024x128x256xf32, #tpu.memory_space<hbm>> -> memref<1x128x256xf32, #tpu.memory_space<hbm>>
      %dma_wait3A_168 = arith.constant 16 : i32
      %dma_wait3A_169 = arith.constant 0 : i32
      %dma_wait3A_170 = arith.constant 0 : i32
      %dma_wait3A_171 = tpu.memref_slice %arg2[%dma_wait3A_168, %dma_wait3A_169, %dma_wait3A_170] : memref<1024x128x256xf32, #tpu.memory_space<hbm>> -> memref<1x128x256xf32, #tpu.memory_space<hbm>>
      tpu.wait_dma2 semaphore(%arg5 : memref<!tpu.dma_semaphore, #tpu.memory_space<semaphore_mem>>) src(%dma_wait3A_171 : memref<1x128x256xf32, #tpu.memory_space<hbm>>) dst(%arg4 : memref<1x128x256xf32, #tpu.memory_space<vmem>>)
      "tpu.region"() ({
        %run_scoped3A = tpu.sem_alloc : memref<!tpu.dma_semaphore, #tpu.memory_space<semaphore_mem>>
        %dma_start3A_172 = arith.constant 0 : i32
        %dma_start3A_173 = arith.constant 0 : i32
        %dma_start3A_174 = arith.constant 0 : i32
        %dma_start3A_175 = tpu.memref_slice %arg3[%dma_start3A_172, %dma_start3A_173, %dma_start3A_174] : memref<32x128x256xf32, #tpu.memory_space<hbm>> -> memref<1x128x256xf32, #tpu.memory_space<hbm>>
        %dma_start3A_176 = arith.constant 0 : i32
        %dma_start3A_177 = arith.constant 0 : i32
        %dma_start3A_178 = arith.constant 0 : i32
        %dma_start3A_179 = tpu.memref_slice %arg3[%dma_start3A_176, %dma_start3A_177, %dma_start3A_178] : memref<32x128x256xf32, #tpu.memory_space<hbm>> -> memref<1x128x256xf32, #tpu.memory_space<hbm>>
        tpu.enqueue_dma source(%arg4 : memref<1x128x256xf32, #tpu.memory_space<vmem>>) target(%dma_start3A_179 : memref<1x128x256xf32, #tpu.memory_space<hbm>>) target_semaphore(%run_scoped3A : memref<!tpu.dma_semaphore, #tpu.memory_space<semaphore_mem>>)
        %dma_wait3A_180 = arith.constant 0 : i32
        %dma_wait3A_181 = arith.constant 0 : i32
        %dma_wait3A_182 = arith.constant 0 : i32
        %dma_wait3A_183 = tpu.memref_slice %arg3[%dma_wait3A_180, %dma_wait3A_181, %dma_wait3A_182] : memref<32x128x256xf32, #tpu.memory_space<hbm>> -> memref<1x128x256xf32, #tpu.memory_space<hbm>>
        %dma_wait3A_184 = arith.constant 0 : i32
        %dma_wait3A_185 = arith.constant 0 : i32
        %dma_wait3A_186 = arith.constant 0 : i32
        %dma_wait3A_187 = tpu.memref_slice %arg3[%dma_wait3A_184, %dma_wait3A_185, %dma_wait3A_186] : memref<32x128x256xf32, #tpu.memory_space<hbm>> -> memref<1x128x256xf32, #tpu.memory_space<hbm>>
        tpu.wait_dma2 semaphore(%run_scoped3A : memref<!tpu.dma_semaphore, #tpu.memory_space<semaphore_mem>>) src(%arg4 : memref<1x128x256xf32, #tpu.memory_space<vmem>>) dst(%dma_wait3A_187 : memref<1x128x256xf32, #tpu.memory_space<hbm>>)
        tpu.yield
      }) : () -> ()
    } else {
    }
    %eq3A_3 = arith.constant 1 : i32
    %eq3A_4 = arith.cmpi eq, %add3A, %eq3A_3 : i32
    %convert_element_type3A_5 = arith.extui %eq3A_4 : i1 to i32
    %cond3A_6 = arith.constant 0 : i32
    %cond3A_7 = arith.cmpi ne, %convert_element_type3A_5, %cond3A_6 : i32
    scf.if %cond3A_7 {
      %dma_start3A = arith.constant 17 : i32
      %dma_start3A_158 = arith.constant 0 : i32
      %dma_start3A_159 = arith.constant 0 : i32
      %dma_start3A_160 = tpu.memref_slice %arg2[%dma_start3A, %dma_start3A_158, %dma_start3A_159] : memref<1024x128x256xf32, #tpu.memory_space<hbm>> -> memref<1x128x256xf32, #tpu.memory_space<hbm>>
      %dma_start3A_161 = arith.constant 17 : i32
      %dma_start3A_162 = arith.constant 0 : i32
      %dma_start3A_163 = arith.constant 0 : i32
      %dma_start3A_164 = tpu.memref_slice %arg2[%dma_start3A_161, %dma_start3A_162, %dma_start3A_163] : memref<1024x128x256xf32, #tpu.memory_space<hbm>> -> memref<1x128x256xf32, #tpu.memory_space<hbm>>
      tpu.enqueue_dma source(%dma_start3A_164 : memref<1x128x256xf32, #tpu.memory_space<hbm>>) target(%arg4 : memref<1x128x256xf32, #tpu.memory_space<vmem>>) target_semaphore(%arg5 : memref<!tpu.dma_semaphore, #tpu.memory_space<semaphore_mem>>)
      %dma_wait3A = arith.constant 17 : i32
      %dma_wait3A_165 = arith.constant 0 : i32
      %dma_wait3A_166 = arith.constant 0 : i32
      %dma_wait3A_167 = tpu.memref_slice %arg2[%dma_wait3A, %dma_wait3A_165, %dma_wait3A_166] : memref<1024x128x256xf32, #tpu.memory_space<hbm>> -> memref<1x128x256xf32, #tpu.memory_space<hbm>>
      %dma_wait3A_168 = arith.constant 17 : i32
      %dma_wait3A_169 = arith.constant 0 : i32
      %dma_wait3A_170 = arith.constant 0 : i32
      %dma_wait3A_171 = tpu.memref_slice %arg2[%dma_wait3A_168, %dma_wait3A_169, %dma_wait3A_170] : memref<1024x128x256xf32, #tpu.memory_space<hbm>> -> memref<1x128x256xf32, #tpu.memory_space<hbm>>
      tpu.wait_dma2 semaphore(%arg5 : memref<!tpu.dma_semaphore, #tpu.memory_space<semaphore_mem>>) src(%dma_wait3A_171 : memref<1x128x256xf32, #tpu.memory_space<hbm>>) dst(%arg4 : memref<1x128x256xf32, #tpu.memory_space<vmem>>)
      "tpu.region"() ({
        %run_scoped3A = tpu.sem_alloc : memref<!tpu.dma_semaphore, #tpu.memory_space<semaphore_mem>>
        %dma_start3A_172 = arith.constant 1 : i32
        %dma_start3A_173 = arith.constant 0 : i32
        %dma_start3A_174 = arith.constant 0 : i32
        %dma_start3A_175 = tpu.memref_slice %arg3[%dma_start3A_172, %dma_start3A_173, %dma_start3A_174] : memref<32x128x256xf32, #tpu.memory_space<hbm>> -> memref<1x128x256xf32, #tpu.memory_space<hbm>>
        %dma_start3A_176 = arith.constant 1 : i32
        %dma_start3A_177 = arith.constant 0 : i32
        %dma_start3A_178 = arith.constant 0 : i32
        %dma_start3A_179 = tpu.memref_slice %arg3[%dma_start3A_176, %dma_start3A_177, %dma_start3A_178] : memref<32x128x256xf32, #tpu.memory_space<hbm>> -> memref<1x128x256xf32, #tpu.memory_space<hbm>>
        tpu.enqueue_dma source(%arg4 : memref<1x128x256xf32, #tpu.memory_space<vmem>>) target(%dma_start3A_179 : memref<1x128x256xf32, #tpu.memory_space<hbm>>) target_semaphore(%run_scoped3A : memref<!tpu.dma_semaphore, #tpu.memory_space<semaphore_mem>>)
        %dma_wait3A_180 = arith.constant 1 : i32
        %dma_wait3A_181 = arith.constant 0 : i32
        %dma_wait3A_182 = arith.constant 0 : i32
        %dma_wait3A_183 = tpu.memref_slice %arg3[%dma_wait3A_180, %dma_wait3A_181, %dma_wait3A_182] : memref<32x128x256xf32, #tpu.memory_space<hbm>> -> memref<1x128x256xf32, #tpu.memory_space<hbm>>
        %dma_wait3A_184 = arith.constant 1 : i32
        %dma_wait3A_185 = arith.constant 0 : i32
        %dma_wait3A_186 = arith.constant 0 : i32
        %dma_wait3A_187 = tpu.memref_slice %arg3[%dma_wait3A_184, %dma_wait3A_185, %dma_wait3A_186] : memref<32x128x256xf32, #tpu.memory_space<hbm>> -> memref<1x128x256xf32, #tpu.memory_space<hbm>>
        tpu.wait_dma2 semaphore(%run_scoped3A : memref<!tpu.dma_semaphore, #tpu.memory_space<semaphore_mem>>) src(%arg4 : memref<1x128x256xf32, #tpu.memory_space<vmem>>) dst(%dma_wait3A_187 : memref<1x128x256xf32, #tpu.memory_space<hbm>>)
        tpu.yield
      }) : () -> ()
    } else {
    }
    %eq3A_8 = arith.constant 2 : i32
    %eq3A_9 = arith.cmpi eq, %add3A, %eq3A_8 : i32
    %convert_element_type3A_10 = arith.extui %eq3A_9 : i1 to i32
    %cond3A_11 = arith.constant 0 : i32
    %cond3A_12 = arith.cmpi ne, %convert_element_type3A_10, %cond3A_11 : i32
    scf.if %cond3A_12 {
      %dma_start3A = arith.constant 116 : i32
      %dma_start3A_158 = arith.constant 0 : i32
      %dma_start3A_159 = arith.constant 0 : i32
      %dma_start3A_160 = tpu.memref_slice %arg2[%dma_start3A, %dma_start3A_158, %dma_start3A_159] : memref<1024x128x256xf32, #tpu.memory_space<hbm>> -> memref<1x128x256xf32, #tpu.memory_space<hbm>>
      %dma_start3A_161 = arith.constant 116 : i32
      %dma_start3A_162 = arith.constant 0 : i32
      %dma_start3A_163 = arith.constant 0 : i32
      %dma_start3A_164 = tpu.memref_slice %arg2[%dma_start3A_161, %dma_start3A_162, %dma_start3A_163] : memref<1024x128x256xf32, #tpu.memory_space<hbm>> -> memref<1x128x256xf32, #tpu.memory_space<hbm>>
      tpu.enqueue_dma source(%dma_start3A_164 : memref<1x128x256xf32, #tpu.memory_space<hbm>>) target(%arg4 : memref<1x128x256xf32, #tpu.memory_space<vmem>>) target_semaphore(%arg5 : memref<!tpu.dma_semaphore, #tpu.memory_space<semaphore_mem>>)
      %dma_wait3A = arith.constant 116 : i32
      %dma_wait3A_165 = arith.constant 0 : i32
      %dma_wait3A_166 = arith.constant 0 : i32
      %dma_wait3A_167 = tpu.memref_slice %arg2[%dma_wait3A, %dma_wait3A_165, %dma_wait3A_166] : memref<1024x128x256xf32, #tpu.memory_space<hbm>> -> memref<1x128x256xf32, #tpu.memory_space<hbm>>
      %dma_wait3A_168 = arith.constant 116 : i32
      %dma_wait3A_169 = arith.constant 0 : i32
      %dma_wait3A_170 = arith.constant 0 : i32
      %dma_wait3A_171 = tpu.memref_slice %arg2[%dma_wait3A_168, %dma_wait3A_169, %dma_wait3A_170] : memref<1024x128x256xf32, #tpu.memory_space<hbm>> -> memref<1x128x256xf32, #tpu.memory_space<hbm>>
      tpu.wait_dma2 semaphore(%arg5 : memref<!tpu.dma_semaphore, #tpu.memory_space<semaphore_mem>>) src(%dma_wait3A_171 : memref<1x128x256xf32, #tpu.memory_space<hbm>>) dst(%arg4 : memref<1x128x256xf32, #tpu.memory_space<vmem>>)
      "tpu.region"() ({
        %run_scoped3A = tpu.sem_alloc : memref<!tpu.dma_semaphore, #tpu.memory_space<semaphore_mem>>
        %dma_start3A_172 = arith.constant 2 : i32
        %dma_start3A_173 = arith.constant 0 : i32
        %dma_start3A_174 = arith.constant 0 : i32
        %dma_start3A_175 = tpu.memref_slice %arg3[%dma_start3A_172, %dma_start3A_173, %dma_start3A_174] : memref<32x128x256xf32, #tpu.memory_space<hbm>> -> memref<1x128x256xf32, #tpu.memory_space<hbm>>
        %dma_start3A_176 = arith.constant 2 : i32
        %dma_start3A_177 = arith.constant 0 : i32
        %dma_start3A_178 = arith.constant 0 : i32
        %dma_start3A_179 = tpu.memref_slice %arg3[%dma_start3A_176, %dma_start3A_177, %dma_start3A_178] : memref<32x128x256xf32, #tpu.memory_space<hbm>> -> memref<1x128x256xf32, #tpu.memory_space<hbm>>
        tpu.enqueue_dma source(%arg4 : memref<1x128x256xf32, #tpu.memory_space<vmem>>) target(%dma_start3A_179 : memref<1x128x256xf32, #tpu.memory_space<hbm>>) target_semaphore(%run_scoped3A : memref<!tpu.dma_semaphore, #tpu.memory_space<semaphore_mem>>)
        %dma_wait3A_180 = arith.constant 2 : i32
        %dma_wait3A_181 = arith.constant 0 : i32
        %dma_wait3A_182 = arith.constant 0 : i32
        %dma_wait3A_183 = tpu.memref_slice %arg3[%dma_wait3A_180, %dma_wait3A_181, %dma_wait3A_182] : memref<32x128x256xf32, #tpu.memory_space<hbm>> -> memref<1x128x256xf32, #tpu.memory_space<hbm>>
        %dma_wait3A_184 = arith.constant 2 : i32
        %dma_wait3A_185 = arith.constant 0 : i32
        %dma_wait3A_186 = arith.constant 0 : i32
        %dma_wait3A_187 = tpu.memref_slice %arg3[%dma_wait3A_184, %dma_wait3A_185, %dma_wait3A_186] : memref<32x128x256xf32, #tpu.memory_space<hbm>> -> memref<1x128x256xf32, #tpu.memory_space<hbm>>
        tpu.wait_dma2 semaphore(%run_scoped3A : memref<!tpu.dma_semaphore, #tpu.memory_space<semaphore_mem>>) src(%arg4 : memref<1x128x256xf32, #tpu.memory_space<vmem>>) dst(%dma_wait3A_187 : memref<1x128x256xf32, #tpu.memory_space<hbm>>)
        tpu.yield
      }) : () -> ()
    } else {
    }
    %eq3A_13 = arith.constant 3 : i32
    %eq3A_14 = arith.cmpi eq, %add3A, %eq3A_13 : i32
    %convert_element_type3A_15 = arith.extui %eq3A_14 : i1 to i32
    %cond3A_16 = arith.constant 0 : i32
    %cond3A_17 = arith.cmpi ne, %convert_element_type3A_15, %cond3A_16 : i32
    scf.if %cond3A_17 {
      %dma_start3A = arith.constant 117 : i32
      %dma_start3A_158 = arith.constant 0 : i32
      %dma_start3A_159 = arith.constant 0 : i32
      %dma_start3A_160 = tpu.memref_slice %arg2[%dma_start3A, %dma_start3A_158, %dma_start3A_159] : memref<1024x128x256xf32, #tpu.memory_space<hbm>> -> memref<1x128x256xf32, #tpu.memory_space<hbm>>
      %dma_start3A_161 = arith.constant 117 : i32
      %dma_start3A_162 = arith.constant 0 : i32
      %dma_start3A_163 = arith.constant 0 : i32
      %dma_start3A_164 = tpu.memref_slice %arg2[%dma_start3A_161, %dma_start3A_162, %dma_start3A_163] : memref<1024x128x256xf32, #tpu.memory_space<hbm>> -> memref<1x128x256xf32, #tpu.memory_space<hbm>>
      tpu.enqueue_dma source(%dma_start3A_164 : memref<1x128x256xf32, #tpu.memory_space<hbm>>) target(%arg4 : memref<1x128x256xf32, #tpu.memory_space<vmem>>) target_semaphore(%arg5 : memref<!tpu.dma_semaphore, #tpu.memory_space<semaphore_mem>>)
      %dma_wait3A = arith.constant 117 : i32
      %dma_wait3A_165 = arith.constant 0 : i32
      %dma_wait3A_166 = arith.constant 0 : i32
      %dma_wait3A_167 = tpu.memref_slice %arg2[%dma_wait3A, %dma_wait3A_165, %dma_wait3A_166] : memref<1024x128x256xf32, #tpu.memory_space<hbm>> -> memref<1x128x256xf32, #tpu.memory_space<hbm>>
      %dma_wait3A_168 = arith.constant 117 : i32
      %dma_wait3A_169 = arith.constant 0 : i32
      %dma_wait3A_170 = arith.constant 0 : i32
      %dma_wait3A_171 = tpu.memref_slice %arg2[%dma_wait3A_168, %dma_wait3A_169, %dma_wait3A_170] : memref<1024x128x256xf32, #tpu.memory_space<hbm>> -> memref<1x128x256xf32, #tpu.memory_space<hbm>>
      tpu.wait_dma2 semaphore(%arg5 : memref<!tpu.dma_semaphore, #tpu.memory_space<semaphore_mem>>) src(%dma_wait3A_171 : memref<1x128x256xf32, #tpu.memory_space<hbm>>) dst(%arg4 : memref<1x128x256xf32, #tpu.memory_space<vmem>>)
      "tpu.region"() ({
        %run_scoped3A = tpu.sem_alloc : memref<!tpu.dma_semaphore, #tpu.memory_space<semaphore_mem>>
        %dma_start3A_172 = arith.constant 3 : i32
        %dma_start3A_173 = arith.constant 0 : i32
        %dma_start3A_174 = arith.constant 0 : i32
        %dma_start3A_175 = tpu.memref_slice %arg3[%dma_start3A_172, %dma_start3A_173, %dma_start3A_174] : memref<32x128x256xf32, #tpu.memory_space<hbm>> -> memref<1x128x256xf32, #tpu.memory_space<hbm>>
        %dma_start3A_176 = arith.constant 3 : i32
        %dma_start3A_177 = arith.constant 0 : i32
        %dma_start3A_178 = arith.constant 0 : i32
        %dma_start3A_179 = tpu.memref_slice %arg3[%dma_start3A_176, %dma_start3A_177, %dma_start3A_178] : memref<32x128x256xf32, #tpu.memory_space<hbm>> -> memref<1x128x256xf32, #tpu.memory_space<hbm>>
        tpu.enqueue_dma source(%arg4 : memref<1x128x256xf32, #tpu.memory_space<vmem>>) target(%dma_start3A_179 : memref<1x128x256xf32, #tpu.memory_space<hbm>>) target_semaphore(%run_scoped3A : memref<!tpu.dma_semaphore, #tpu.memory_space<semaphore_mem>>)
        %dma_wait3A_180 = arith.constant 3 : i32
        %dma_wait3A_181 = arith.constant 0 : i32
        %dma_wait3A_182 = arith.constant 0 : i32
        %dma_wait3A_183 = tpu.memref_slice %arg3[%dma_wait3A_180, %dma_wait3A_181, %dma_wait3A_182] : memref<32x128x256xf32, #tpu.memory_space<hbm>> -> memref<1x128x256xf32, #tpu.memory_space<hbm>>
        %dma_wait3A_184 = arith.constant 3 : i32
        %dma_wait3A_185 = arith.constant 0 : i32
        %dma_wait3A_186 = arith.constant 0 : i32
        %dma_wait3A_187 = tpu.memref_slice %arg3[%dma_wait3A_184, %dma_wait3A_185, %dma_wait3A_186] : memref<32x128x256xf32, #tpu.memory_space<hbm>> -> memref<1x128x256xf32, #tpu.memory_space<hbm>>
        tpu.wait_dma2 semaphore(%run_scoped3A : memref<!tpu.dma_semaphore, #tpu.memory_space<semaphore_mem>>) src(%arg4 : memref<1x128x256xf32, #tpu.memory_space<vmem>>) dst(%dma_wait3A_187 : memref<1x128x256xf32, #tpu.memory_space<hbm>>)
        tpu.yield
      }) : () -> ()
    } else {
    }
    %eq3A_18 = arith.constant 4 : i32
    %eq3A_19 = arith.cmpi eq, %add3A, %eq3A_18 : i32
    %convert_element_type3A_20 = arith.extui %eq3A_19 : i1 to i32
    %cond3A_21 = arith.constant 0 : i32
    %cond3A_22 = arith.cmpi ne, %convert_element_type3A_20, %cond3A_21 : i32
    scf.if %cond3A_22 {
      %dma_start3A = arith.constant 150 : i32
      %dma_start3A_158 = arith.constant 0 : i32
      %dma_start3A_159 = arith.constant 0 : i32
      %dma_start3A_160 = tpu.memref_slice %arg2[%dma_start3A, %dma_start3A_158, %dma_start3A_159] : memref<1024x128x256xf32, #tpu.memory_space<hbm>> -> memref<1x128x256xf32, #tpu.memory_space<hbm>>
      %dma_start3A_161 = arith.constant 150 : i32
      %dma_start3A_162 = arith.constant 0 : i32
      %dma_start3A_163 = arith.constant 0 : i32
      %dma_start3A_164 = tpu.memref_slice %arg2[%dma_start3A_161, %dma_start3A_162, %dma_start3A_163] : memref<1024x128x256xf32, #tpu.memory_space<hbm>> -> memref<1x128x256xf32, #tpu.memory_space<hbm>>
      tpu.enqueue_dma source(%dma_start3A_164 : memref<1x128x256xf32, #tpu.memory_space<hbm>>) target(%arg4 : memref<1x128x256xf32, #tpu.memory_space<vmem>>) target_semaphore(%arg5 : memref<!tpu.dma_semaphore, #tpu.memory_space<semaphore_mem>>)
      %dma_wait3A = arith.constant 150 : i32
      %dma_wait3A_165 = arith.constant 0 : i32
      %dma_wait3A_166 = arith.constant 0 : i32
      %dma_wait3A_167 = tpu.memref_slice %arg2[%dma_wait3A, %dma_wait3A_165, %dma_wait3A_166] : memref<1024x128x256xf32, #tpu.memory_space<hbm>> -> memref<1x128x256xf32, #tpu.memory_space<hbm>>
      %dma_wait3A_168 = arith.constant 150 : i32
      %dma_wait3A_169 = arith.constant 0 : i32
      %dma_wait3A_170 = arith.constant 0 : i32
      %dma_wait3A_171 = tpu.memref_slice %arg2[%dma_wait3A_168, %dma_wait3A_169, %dma_wait3A_170] : memref<1024x128x256xf32, #tpu.memory_space<hbm>> -> memref<1x128x256xf32, #tpu.memory_space<hbm>>
      tpu.wait_dma2 semaphore(%arg5 : memref<!tpu.dma_semaphore, #tpu.memory_space<semaphore_mem>>) src(%dma_wait3A_171 : memref<1x128x256xf32, #tpu.memory_space<hbm>>) dst(%arg4 : memref<1x128x256xf32, #tpu.memory_space<vmem>>)
      "tpu.region"() ({
        %run_scoped3A = tpu.sem_alloc : memref<!tpu.dma_semaphore, #tpu.memory_space<semaphore_mem>>
        %dma_start3A_172 = arith.constant 4 : i32
        %dma_start3A_173 = arith.constant 0 : i32
        %dma_start3A_174 = arith.constant 0 : i32
        %dma_start3A_175 = tpu.memref_slice %arg3[%dma_start3A_172, %dma_start3A_173, %dma_start3A_174] : memref<32x128x256xf32, #tpu.memory_space<hbm>> -> memref<1x128x256xf32, #tpu.memory_space<hbm>>
        %dma_start3A_176 = arith.constant 4 : i32
        %dma_start3A_177 = arith.constant 0 : i32
        %dma_start3A_178 = arith.constant 0 : i32
        %dma_start3A_179 = tpu.memref_slice %arg3[%dma_start3A_176, %dma_start3A_177, %dma_start3A_178] : memref<32x128x256xf32, #tpu.memory_space<hbm>> -> memref<1x128x256xf32, #tpu.memory_space<hbm>>
        tpu.enqueue_dma source(%arg4 : memref<1x128x256xf32, #tpu.memory_space<vmem>>) target(%dma_start3A_179 : memref<1x128x256xf32, #tpu.memory_space<hbm>>) target_semaphore(%run_scoped3A : memref<!tpu.dma_semaphore, #tpu.memory_space<semaphore_mem>>)
        %dma_wait3A_180 = arith.constant 4 : i32
        %dma_wait3A_181 = arith.constant 0 : i32
        %dma_wait3A_182 = arith.constant 0 : i32
        %dma_wait3A_183 = tpu.memref_slice %arg3[%dma_wait3A_180, %dma_wait3A_181, %dma_wait3A_182] : memref<32x128x256xf32, #tpu.memory_space<hbm>> -> memref<1x128x256xf32, #tpu.memory_space<hbm>>
        %dma_wait3A_184 = arith.constant 4 : i32
        %dma_wait3A_185 = arith.constant 0 : i32
        %dma_wait3A_186 = arith.constant 0 : i32
        %dma_wait3A_187 = tpu.memref_slice %arg3[%dma_wait3A_184, %dma_wait3A_185, %dma_wait3A_186] : memref<32x128x256xf32, #tpu.memory_space<hbm>> -> memref<1x128x256xf32, #tpu.memory_space<hbm>>
        tpu.wait_dma2 semaphore(%run_scoped3A : memref<!tpu.dma_semaphore, #tpu.memory_space<semaphore_mem>>) src(%arg4 : memref<1x128x256xf32, #tpu.memory_space<vmem>>) dst(%dma_wait3A_187 : memref<1x128x256xf32, #tpu.memory_space<hbm>>)
        tpu.yield
      }) : () -> ()
    } else {
    }
    %eq3A_23 = arith.constant 5 : i32
    %eq3A_24 = arith.cmpi eq, %add3A, %eq3A_23 : i32
    %convert_element_type3A_25 = arith.extui %eq3A_24 : i1 to i32
    %cond3A_26 = arith.constant 0 : i32
    %cond3A_27 = arith.cmpi ne, %convert_element_type3A_25, %cond3A_26 : i32
    scf.if %cond3A_27 {
      %dma_start3A = arith.constant 151 : i32
      %dma_start3A_158 = arith.constant 0 : i32
      %dma_start3A_159 = arith.constant 0 : i32
      %dma_start3A_160 = tpu.memref_slice %arg2[%dma_start3A, %dma_start3A_158, %dma_start3A_159] : memref<1024x128x256xf32, #tpu.memory_space<hbm>> -> memref<1x128x256xf32, #tpu.memory_space<hbm>>
      %dma_start3A_161 = arith.constant 151 : i32
      %dma_start3A_162 = arith.constant 0 : i32
      %dma_start3A_163 = arith.constant 0 : i32
      %dma_start3A_164 = tpu.memref_slice %arg2[%dma_start3A_161, %dma_start3A_162, %dma_start3A_163] : memref<1024x128x256xf32, #tpu.memory_space<hbm>> -> memref<1x128x256xf32, #tpu.memory_space<hbm>>
      tpu.enqueue_dma source(%dma_start3A_164 : memref<1x128x256xf32, #tpu.memory_space<hbm>>) target(%arg4 : memref<1x128x256xf32, #tpu.memory_space<vmem>>) target_semaphore(%arg5 : memref<!tpu.dma_semaphore, #tpu.memory_space<semaphore_mem>>)
      %dma_wait3A = arith.constant 151 : i32
      %dma_wait3A_165 = arith.constant 0 : i32
      %dma_wait3A_166 = arith.constant 0 : i32
      %dma_wait3A_167 = tpu.memref_slice %arg2[%dma_wait3A, %dma_wait3A_165, %dma_wait3A_166] : memref<1024x128x256xf32, #tpu.memory_space<hbm>> -> memref<1x128x256xf32, #tpu.memory_space<hbm>>
      %dma_wait3A_168 = arith.constant 151 : i32
      %dma_wait3A_169 = arith.constant 0 : i32
      %dma_wait3A_170 = arith.constant 0 : i32
      %dma_wait3A_171 = tpu.memref_slice %arg2[%dma_wait3A_168, %dma_wait3A_169, %dma_wait3A_170] : memref<1024x128x256xf32, #tpu.memory_space<hbm>> -> memref<1x128x256xf32, #tpu.memory_space<hbm>>
      tpu.wait_dma2 semaphore(%arg5 : memref<!tpu.dma_semaphore, #tpu.memory_space<semaphore_mem>>) src(%dma_wait3A_171 : memref<1x128x256xf32, #tpu.memory_space<hbm>>) dst(%arg4 : memref<1x128x256xf32, #tpu.memory_space<vmem>>)
      "tpu.region"() ({
        %run_scoped3A = tpu.sem_alloc : memref<!tpu.dma_semaphore, #tpu.memory_space<semaphore_mem>>
        %dma_start3A_172 = arith.constant 5 : i32
        %dma_start3A_173 = arith.constant 0 : i32
        %dma_start3A_174 = arith.constant 0 : i32
        %dma_start3A_175 = tpu.memref_slice %arg3[%dma_start3A_172, %dma_start3A_173, %dma_start3A_174] : memref<32x128x256xf32, #tpu.memory_space<hbm>> -> memref<1x128x256xf32, #tpu.memory_space<hbm>>
        %dma_start3A_176 = arith.constant 5 : i32
        %dma_start3A_177 = arith.constant 0 : i32
        %dma_start3A_178 = arith.constant 0 : i32
        %dma_start3A_179 = tpu.memref_slice %arg3[%dma_start3A_176, %dma_start3A_177, %dma_start3A_178] : memref<32x128x256xf32, #tpu.memory_space<hbm>> -> memref<1x128x256xf32, #tpu.memory_space<hbm>>
        tpu.enqueue_dma source(%arg4 : memref<1x128x256xf32, #tpu.memory_space<vmem>>) target(%dma_start3A_179 : memref<1x128x256xf32, #tpu.memory_space<hbm>>) target_semaphore(%run_scoped3A : memref<!tpu.dma_semaphore, #tpu.memory_space<semaphore_mem>>)
        %dma_wait3A_180 = arith.constant 5 : i32
        %dma_wait3A_181 = arith.constant 0 : i32
        %dma_wait3A_182 = arith.constant 0 : i32
        %dma_wait3A_183 = tpu.memref_slice %arg3[%dma_wait3A_180, %dma_wait3A_181, %dma_wait3A_182] : memref<32x128x256xf32, #tpu.memory_space<hbm>> -> memref<1x128x256xf32, #tpu.memory_space<hbm>>
        %dma_wait3A_184 = arith.constant 5 : i32
        %dma_wait3A_185 = arith.constant 0 : i32
        %dma_wait3A_186 = arith.constant 0 : i32
        %dma_wait3A_187 = tpu.memref_slice %arg3[%dma_wait3A_184, %dma_wait3A_185, %dma_wait3A_186] : memref<32x128x256xf32, #tpu.memory_space<hbm>> -> memref<1x128x256xf32, #tpu.memory_space<hbm>>
        tpu.wait_dma2 semaphore(%run_scoped3A : memref<!tpu.dma_semaphore, #tpu.memory_space<semaphore_mem>>) src(%arg4 : memref<1x128x256xf32, #tpu.memory_space<vmem>>) dst(%dma_wait3A_187 : memref<1x128x256xf32, #tpu.memory_space<hbm>>)
        tpu.yield
      }) : () -> ()
    } else {
    }
    %eq3A_28 = arith.constant 6 : i32
    %eq3A_29 = arith.cmpi eq, %add3A, %eq3A_28 : i32
    %convert_element_type3A_30 = arith.extui %eq3A_29 : i1 to i32
    %cond3A_31 = arith.constant 0 : i32
    %cond3A_32 = arith.cmpi ne, %convert_element_type3A_30, %cond3A_31 : i32
    scf.if %cond3A_32 {
      %dma_start3A = arith.constant 242 : i32
      %dma_start3A_158 = arith.constant 0 : i32
      %dma_start3A_159 = arith.constant 0 : i32
      %dma_start3A_160 = tpu.memref_slice %arg2[%dma_start3A, %dma_start3A_158, %dma_start3A_159] : memref<1024x128x256xf32, #tpu.memory_space<hbm>> -> memref<1x128x256xf32, #tpu.memory_space<hbm>>
      %dma_start3A_161 = arith.constant 242 : i32
      %dma_start3A_162 = arith.constant 0 : i32
      %dma_start3A_163 = arith.constant 0 : i32
      %dma_start3A_164 = tpu.memref_slice %arg2[%dma_start3A_161, %dma_start3A_162, %dma_start3A_163] : memref<1024x128x256xf32, #tpu.memory_space<hbm>> -> memref<1x128x256xf32, #tpu.memory_space<hbm>>
      tpu.enqueue_dma source(%dma_start3A_164 : memref<1x128x256xf32, #tpu.memory_space<hbm>>) target(%arg4 : memref<1x128x256xf32, #tpu.memory_space<vmem>>) target_semaphore(%arg5 : memref<!tpu.dma_semaphore, #tpu.memory_space<semaphore_mem>>)
      %dma_wait3A = arith.constant 242 : i32
      %dma_wait3A_165 = arith.constant 0 : i32
      %dma_wait3A_166 = arith.constant 0 : i32
      %dma_wait3A_167 = tpu.memref_slice %arg2[%dma_wait3A, %dma_wait3A_165, %dma_wait3A_166] : memref<1024x128x256xf32, #tpu.memory_space<hbm>> -> memref<1x128x256xf32, #tpu.memory_space<hbm>>
      %dma_wait3A_168 = arith.constant 242 : i32
      %dma_wait3A_169 = arith.constant 0 : i32
      %dma_wait3A_170 = arith.constant 0 : i32
      %dma_wait3A_171 = tpu.memref_slice %arg2[%dma_wait3A_168, %dma_wait3A_169, %dma_wait3A_170] : memref<1024x128x256xf32, #tpu.memory_space<hbm>> -> memref<1x128x256xf32, #tpu.memory_space<hbm>>
      tpu.wait_dma2 semaphore(%arg5 : memref<!tpu.dma_semaphore, #tpu.memory_space<semaphore_mem>>) src(%dma_wait3A_171 : memref<1x128x256xf32, #tpu.memory_space<hbm>>) dst(%arg4 : memref<1x128x256xf32, #tpu.memory_space<vmem>>)
      "tpu.region"() ({
        %run_scoped3A = tpu.sem_alloc : memref<!tpu.dma_semaphore, #tpu.memory_space<semaphore_mem>>
        %dma_start3A_172 = arith.constant 6 : i32
        %dma_start3A_173 = arith.constant 0 : i32
        %dma_start3A_174 = arith.constant 0 : i32
        %dma_start3A_175 = tpu.memref_slice %arg3[%dma_start3A_172, %dma_start3A_173, %dma_start3A_174] : memref<32x128x256xf32, #tpu.memory_space<hbm>> -> memref<1x128x256xf32, #tpu.memory_space<hbm>>
        %dma_start3A_176 = arith.constant 6 : i32
        %dma_start3A_177 = arith.constant 0 : i32
        %dma_start3A_178 = arith.constant 0 : i32
        %dma_start3A_179 = tpu.memref_slice %arg3[%dma_start3A_176, %dma_start3A_177, %dma_start3A_178] : memref<32x128x256xf32, #tpu.memory_space<hbm>> -> memref<1x128x256xf32, #tpu.memory_space<hbm>>
        tpu.enqueue_dma source(%arg4 : memref<1x128x256xf32, #tpu.memory_space<vmem>>) target(%dma_start3A_179 : memref<1x128x256xf32, #tpu.memory_space<hbm>>) target_semaphore(%run_scoped3A : memref<!tpu.dma_semaphore, #tpu.memory_space<semaphore_mem>>)
        %dma_wait3A_180 = arith.constant 6 : i32
        %dma_wait3A_181 = arith.constant 0 : i32
        %dma_wait3A_182 = arith.constant 0 : i32
        %dma_wait3A_183 = tpu.memref_slice %arg3[%dma_wait3A_180, %dma_wait3A_181, %dma_wait3A_182] : memref<32x128x256xf32, #tpu.memory_space<hbm>> -> memref<1x128x256xf32, #tpu.memory_space<hbm>>
        %dma_wait3A_184 = arith.constant 6 : i32
        %dma_wait3A_185 = arith.constant 0 : i32
        %dma_wait3A_186 = arith.constant 0 : i32
        %dma_wait3A_187 = tpu.memref_slice %arg3[%dma_wait3A_184, %dma_wait3A_185, %dma_wait3A_186] : memref<32x128x256xf32, #tpu.memory_space<hbm>> -> memref<1x128x256xf32, #tpu.memory_space<hbm>>
        tpu.wait_dma2 semaphore(%run_scoped3A : memref<!tpu.dma_semaphore, #tpu.memory_space<semaphore_mem>>) src(%arg4 : memref<1x128x256xf32, #tpu.memory_space<vmem>>) dst(%dma_wait3A_187 : memref<1x128x256xf32, #tpu.memory_space<hbm>>)
        tpu.yield
      }) : () -> ()
    } else {
    }
    %eq3A_33 = arith.constant 7 : i32
    %eq3A_34 = arith.cmpi eq, %add3A, %eq3A_33 : i32
    %convert_element_type3A_35 = arith.extui %eq3A_34 : i1 to i32
    %cond3A_36 = arith.constant 0 : i32
    %cond3A_37 = arith.cmpi ne, %convert_element_type3A_35, %cond3A_36 : i32
    scf.if %cond3A_37 {
      %dma_start3A = arith.constant 243 : i32
      %dma_start3A_158 = arith.constant 0 : i32
      %dma_start3A_159 = arith.constant 0 : i32
      %dma_start3A_160 = tpu.memref_slice %arg2[%dma_start3A, %dma_start3A_158, %dma_start3A_159] : memref<1024x128x256xf32, #tpu.memory_space<hbm>> -> memref<1x128x256xf32, #tpu.memory_space<hbm>>
      %dma_start3A_161 = arith.constant 243 : i32
      %dma_start3A_162 = arith.constant 0 : i32
      %dma_start3A_163 = arith.constant 0 : i32
      %dma_start3A_164 = tpu.memref_slice %arg2[%dma_start3A_161, %dma_start3A_162, %dma_start3A_163] : memref<1024x128x256xf32, #tpu.memory_space<hbm>> -> memref<1x128x256xf32, #tpu.memory_space<hbm>>
      tpu.enqueue_dma source(%dma_start3A_164 : memref<1x128x256xf32, #tpu.memory_space<hbm>>) target(%arg4 : memref<1x128x256xf32, #tpu.memory_space<vmem>>) target_semaphore(%arg5 : memref<!tpu.dma_semaphore, #tpu.memory_space<semaphore_mem>>)
      %dma_wait3A = arith.constant 243 : i32
      %dma_wait3A_165 = arith.constant 0 : i32
      %dma_wait3A_166 = arith.constant 0 : i32
      %dma_wait3A_167 = tpu.memref_slice %arg2[%dma_wait3A, %dma_wait3A_165, %dma_wait3A_166] : memref<1024x128x256xf32, #tpu.memory_space<hbm>> -> memref<1x128x256xf32, #tpu.memory_space<hbm>>
      %dma_wait3A_168 = arith.constant 243 : i32
      %dma_wait3A_169 = arith.constant 0 : i32
      %dma_wait3A_170 = arith.constant 0 : i32
      %dma_wait3A_171 = tpu.memref_slice %arg2[%dma_wait3A_168, %dma_wait3A_169, %dma_wait3A_170] : memref<1024x128x256xf32, #tpu.memory_space<hbm>> -> memref<1x128x256xf32, #tpu.memory_space<hbm>>
      tpu.wait_dma2 semaphore(%arg5 : memref<!tpu.dma_semaphore, #tpu.memory_space<semaphore_mem>>) src(%dma_wait3A_171 : memref<1x128x256xf32, #tpu.memory_space<hbm>>) dst(%arg4 : memref<1x128x256xf32, #tpu.memory_space<vmem>>)
      "tpu.region"() ({
        %run_scoped3A = tpu.sem_alloc : memref<!tpu.dma_semaphore, #tpu.memory_space<semaphore_mem>>
        %dma_start3A_172 = arith.constant 7 : i32
        %dma_start3A_173 = arith.constant 0 : i32
        %dma_start3A_174 = arith.constant 0 : i32
        %dma_start3A_175 = tpu.memref_slice %arg3[%dma_start3A_172, %dma_start3A_173, %dma_start3A_174] : memref<32x128x256xf32, #tpu.memory_space<hbm>> -> memref<1x128x256xf32, #tpu.memory_space<hbm>>
        %dma_start3A_176 = arith.constant 7 : i32
        %dma_start3A_177 = arith.constant 0 : i32
        %dma_start3A_178 = arith.constant 0 : i32
        %dma_start3A_179 = tpu.memref_slice %arg3[%dma_start3A_176, %dma_start3A_177, %dma_start3A_178] : memref<32x128x256xf32, #tpu.memory_space<hbm>> -> memref<1x128x256xf32, #tpu.memory_space<hbm>>
        tpu.enqueue_dma source(%arg4 : memref<1x128x256xf32, #tpu.memory_space<vmem>>) target(%dma_start3A_179 : memref<1x128x256xf32, #tpu.memory_space<hbm>>) target_semaphore(%run_scoped3A : memref<!tpu.dma_semaphore, #tpu.memory_space<semaphore_mem>>)
        %dma_wait3A_180 = arith.constant 7 : i32
        %dma_wait3A_181 = arith.constant 0 : i32
        %dma_wait3A_182 = arith.constant 0 : i32
        %dma_wait3A_183 = tpu.memref_slice %arg3[%dma_wait3A_180, %dma_wait3A_181, %dma_wait3A_182] : memref<32x128x256xf32, #tpu.memory_space<hbm>> -> memref<1x128x256xf32, #tpu.memory_space<hbm>>
        %dma_wait3A_184 = arith.constant 7 : i32
        %dma_wait3A_185 = arith.constant 0 : i32
        %dma_wait3A_186 = arith.constant 0 : i32
        %dma_wait3A_187 = tpu.memref_slice %arg3[%dma_wait3A_184, %dma_wait3A_185, %dma_wait3A_186] : memref<32x128x256xf32, #tpu.memory_space<hbm>> -> memref<1x128x256xf32, #tpu.memory_space<hbm>>
        tpu.wait_dma2 semaphore(%run_scoped3A : memref<!tpu.dma_semaphore, #tpu.memory_space<semaphore_mem>>) src(%arg4 : memref<1x128x256xf32, #tpu.memory_space<vmem>>) dst(%dma_wait3A_187 : memref<1x128x256xf32, #tpu.memory_space<hbm>>)
        tpu.yield
      }) : () -> ()
    } else {
    }
    %eq3A_38 = arith.constant 8 : i32
    %eq3A_39 = arith.cmpi eq, %add3A, %eq3A_38 : i32
    %convert_element_type3A_40 = arith.extui %eq3A_39 : i1 to i32
    %cond3A_41 = arith.constant 0 : i32
    %cond3A_42 = arith.cmpi ne, %convert_element_type3A_40, %cond3A_41 : i32
    scf.if %cond3A_42 {
      %dma_start3A = arith.constant 266 : i32
      %dma_start3A_158 = arith.constant 0 : i32
      %dma_start3A_159 = arith.constant 0 : i32
      %dma_start3A_160 = tpu.memref_slice %arg2[%dma_start3A, %dma_start3A_158, %dma_start3A_159] : memref<1024x128x256xf32, #tpu.memory_space<hbm>> -> memref<1x128x256xf32, #tpu.memory_space<hbm>>
      %dma_start3A_161 = arith.constant 266 : i32
      %dma_start3A_162 = arith.constant 0 : i32
      %dma_start3A_163 = arith.constant 0 : i32
      %dma_start3A_164 = tpu.memref_slice %arg2[%dma_start3A_161, %dma_start3A_162, %dma_start3A_163] : memref<1024x128x256xf32, #tpu.memory_space<hbm>> -> memref<1x128x256xf32, #tpu.memory_space<hbm>>
      tpu.enqueue_dma source(%dma_start3A_164 : memref<1x128x256xf32, #tpu.memory_space<hbm>>) target(%arg4 : memref<1x128x256xf32, #tpu.memory_space<vmem>>) target_semaphore(%arg5 : memref<!tpu.dma_semaphore, #tpu.memory_space<semaphore_mem>>)
      %dma_wait3A = arith.constant 266 : i32
      %dma_wait3A_165 = arith.constant 0 : i32
      %dma_wait3A_166 = arith.constant 0 : i32
      %dma_wait3A_167 = tpu.memref_slice %arg2[%dma_wait3A, %dma_wait3A_165, %dma_wait3A_166] : memref<1024x128x256xf32, #tpu.memory_space<hbm>> -> memref<1x128x256xf32, #tpu.memory_space<hbm>>
      %dma_wait3A_168 = arith.constant 266 : i32
      %dma_wait3A_169 = arith.constant 0 : i32
      %dma_wait3A_170 = arith.constant 0 : i32
      %dma_wait3A_171 = tpu.memref_slice %arg2[%dma_wait3A_168, %dma_wait3A_169, %dma_wait3A_170] : memref<1024x128x256xf32, #tpu.memory_space<hbm>> -> memref<1x128x256xf32, #tpu.memory_space<hbm>>
      tpu.wait_dma2 semaphore(%arg5 : memref<!tpu.dma_semaphore, #tpu.memory_space<semaphore_mem>>) src(%dma_wait3A_171 : memref<1x128x256xf32, #tpu.memory_space<hbm>>) dst(%arg4 : memref<1x128x256xf32, #tpu.memory_space<vmem>>)
      "tpu.region"() ({
        %run_scoped3A = tpu.sem_alloc : memref<!tpu.dma_semaphore, #tpu.memory_space<semaphore_mem>>
        %dma_start3A_172 = arith.constant 8 : i32
        %dma_start3A_173 = arith.constant 0 : i32
        %dma_start3A_174 = arith.constant 0 : i32
        %dma_start3A_175 = tpu.memref_slice %arg3[%dma_start3A_172, %dma_start3A_173, %dma_start3A_174] : memref<32x128x256xf32, #tpu.memory_space<hbm>> -> memref<1x128x256xf32, #tpu.memory_space<hbm>>
        %dma_start3A_176 = arith.constant 8 : i32
        %dma_start3A_177 = arith.constant 0 : i32
        %dma_start3A_178 = arith.constant 0 : i32
        %dma_start3A_179 = tpu.memref_slice %arg3[%dma_start3A_176, %dma_start3A_177, %dma_start3A_178] : memref<32x128x256xf32, #tpu.memory_space<hbm>> -> memref<1x128x256xf32, #tpu.memory_space<hbm>>
        tpu.enqueue_dma source(%arg4 : memref<1x128x256xf32, #tpu.memory_space<vmem>>) target(%dma_start3A_179 : memref<1x128x256xf32, #tpu.memory_space<hbm>>) target_semaphore(%run_scoped3A : memref<!tpu.dma_semaphore, #tpu.memory_space<semaphore_mem>>)
        %dma_wait3A_180 = arith.constant 8 : i32
        %dma_wait3A_181 = arith.constant 0 : i32
        %dma_wait3A_182 = arith.constant 0 : i32
        %dma_wait3A_183 = tpu.memref_slice %arg3[%dma_wait3A_180, %dma_wait3A_181, %dma_wait3A_182] : memref<32x128x256xf32, #tpu.memory_space<hbm>> -> memref<1x128x256xf32, #tpu.memory_space<hbm>>
        %dma_wait3A_184 = arith.constant 8 : i32
        %dma_wait3A_185 = arith.constant 0 : i32
        %dma_wait3A_186 = arith.constant 0 : i32
        %dma_wait3A_187 = tpu.memref_slice %arg3[%dma_wait3A_184, %dma_wait3A_185, %dma_wait3A_186] : memref<32x128x256xf32, #tpu.memory_space<hbm>> -> memref<1x128x256xf32, #tpu.memory_space<hbm>>
        tpu.wait_dma2 semaphore(%run_scoped3A : memref<!tpu.dma_semaphore, #tpu.memory_space<semaphore_mem>>) src(%arg4 : memref<1x128x256xf32, #tpu.memory_space<vmem>>) dst(%dma_wait3A_187 : memref<1x128x256xf32, #tpu.memory_space<hbm>>)
        tpu.yield
      }) : () -> ()
    } else {
    }
    %eq3A_43 = arith.constant 9 : i32
    %eq3A_44 = arith.cmpi eq, %add3A, %eq3A_43 : i32
    %convert_element_type3A_45 = arith.extui %eq3A_44 : i1 to i32
    %cond3A_46 = arith.constant 0 : i32
    %cond3A_47 = arith.cmpi ne, %convert_element_type3A_45, %cond3A_46 : i32
    scf.if %cond3A_47 {
      %dma_start3A = arith.constant 267 : i32
      %dma_start3A_158 = arith.constant 0 : i32
      %dma_start3A_159 = arith.constant 0 : i32
      %dma_start3A_160 = tpu.memref_slice %arg2[%dma_start3A, %dma_start3A_158, %dma_start3A_159] : memref<1024x128x256xf32, #tpu.memory_space<hbm>> -> memref<1x128x256xf32, #tpu.memory_space<hbm>>
      %dma_start3A_161 = arith.constant 267 : i32
      %dma_start3A_162 = arith.constant 0 : i32
      %dma_start3A_163 = arith.constant 0 : i32
      %dma_start3A_164 = tpu.memref_slice %arg2[%dma_start3A_161, %dma_start3A_162, %dma_start3A_163] : memref<1024x128x256xf32, #tpu.memory_space<hbm>> -> memref<1x128x256xf32, #tpu.memory_space<hbm>>
      tpu.enqueue_dma source(%dma_start3A_164 : memref<1x128x256xf32, #tpu.memory_space<hbm>>) target(%arg4 : memref<1x128x256xf32, #tpu.memory_space<vmem>>) target_semaphore(%arg5 : memref<!tpu.dma_semaphore, #tpu.memory_space<semaphore_mem>>)
      %dma_wait3A = arith.constant 267 : i32
      %dma_wait3A_165 = arith.constant 0 : i32
      %dma_wait3A_166 = arith.constant 0 : i32
      %dma_wait3A_167 = tpu.memref_slice %arg2[%dma_wait3A, %dma_wait3A_165, %dma_wait3A_166] : memref<1024x128x256xf32, #tpu.memory_space<hbm>> -> memref<1x128x256xf32, #tpu.memory_space<hbm>>
      %dma_wait3A_168 = arith.constant 267 : i32
      %dma_wait3A_169 = arith.constant 0 : i32
      %dma_wait3A_170 = arith.constant 0 : i32
      %dma_wait3A_171 = tpu.memref_slice %arg2[%dma_wait3A_168, %dma_wait3A_169, %dma_wait3A_170] : memref<1024x128x256xf32, #tpu.memory_space<hbm>> -> memref<1x128x256xf32, #tpu.memory_space<hbm>>
      tpu.wait_dma2 semaphore(%arg5 : memref<!tpu.dma_semaphore, #tpu.memory_space<semaphore_mem>>) src(%dma_wait3A_171 : memref<1x128x256xf32, #tpu.memory_space<hbm>>) dst(%arg4 : memref<1x128x256xf32, #tpu.memory_space<vmem>>)
      "tpu.region"() ({
        %run_scoped3A = tpu.sem_alloc : memref<!tpu.dma_semaphore, #tpu.memory_space<semaphore_mem>>
        %dma_start3A_172 = arith.constant 9 : i32
        %dma_start3A_173 = arith.constant 0 : i32
        %dma_start3A_174 = arith.constant 0 : i32
        %dma_start3A_175 = tpu.memref_slice %arg3[%dma_start3A_172, %dma_start3A_173, %dma_start3A_174] : memref<32x128x256xf32, #tpu.memory_space<hbm>> -> memref<1x128x256xf32, #tpu.memory_space<hbm>>
        %dma_start3A_176 = arith.constant 9 : i32
        %dma_start3A_177 = arith.constant 0 : i32
        %dma_start3A_178 = arith.constant 0 : i32
        %dma_start3A_179 = tpu.memref_slice %arg3[%dma_start3A_176, %dma_start3A_177, %dma_start3A_178] : memref<32x128x256xf32, #tpu.memory_space<hbm>> -> memref<1x128x256xf32, #tpu.memory_space<hbm>>
        tpu.enqueue_dma source(%arg4 : memref<1x128x256xf32, #tpu.memory_space<vmem>>) target(%dma_start3A_179 : memref<1x128x256xf32, #tpu.memory_space<hbm>>) target_semaphore(%run_scoped3A : memref<!tpu.dma_semaphore, #tpu.memory_space<semaphore_mem>>)
        %dma_wait3A_180 = arith.constant 9 : i32
        %dma_wait3A_181 = arith.constant 0 : i32
        %dma_wait3A_182 = arith.constant 0 : i32
        %dma_wait3A_183 = tpu.memref_slice %arg3[%dma_wait3A_180, %dma_wait3A_181, %dma_wait3A_182] : memref<32x128x256xf32, #tpu.memory_space<hbm>> -> memref<1x128x256xf32, #tpu.memory_space<hbm>>
        %dma_wait3A_184 = arith.constant 9 : i32
        %dma_wait3A_185 = arith.constant 0 : i32
        %dma_wait3A_186 = arith.constant 0 : i32
        %dma_wait3A_187 = tpu.memref_slice %arg3[%dma_wait3A_184, %dma_wait3A_185, %dma_wait3A_186] : memref<32x128x256xf32, #tpu.memory_space<hbm>> -> memref<1x128x256xf32, #tpu.memory_space<hbm>>
        tpu.wait_dma2 semaphore(%run_scoped3A : memref<!tpu.dma_semaphore, #tpu.memory_space<semaphore_mem>>) src(%arg4 : memref<1x128x256xf32, #tpu.memory_space<vmem>>) dst(%dma_wait3A_187 : memref<1x128x256xf32, #tpu.memory_space<hbm>>)
        tpu.yield
      }) : () -> ()
    } else {
    }
    %eq3A_48 = arith.constant 10 : i32
    %eq3A_49 = arith.cmpi eq, %add3A, %eq3A_48 : i32
    %convert_element_type3A_50 = arith.extui %eq3A_49 : i1 to i32
    %cond3A_51 = arith.constant 0 : i32
    %cond3A_52 = arith.cmpi ne, %convert_element_type3A_50, %cond3A_51 : i32
    scf.if %cond3A_52 {
      %dma_start3A = arith.constant 326 : i32
      %dma_start3A_158 = arith.constant 0 : i32
      %dma_start3A_159 = arith.constant 0 : i32
      %dma_start3A_160 = tpu.memref_slice %arg2[%dma_start3A, %dma_start3A_158, %dma_start3A_159] : memref<1024x128x256xf32, #tpu.memory_space<hbm>> -> memref<1x128x256xf32, #tpu.memory_space<hbm>>
      %dma_start3A_161 = arith.constant 326 : i32
      %dma_start3A_162 = arith.constant 0 : i32
      %dma_start3A_163 = arith.constant 0 : i32
      %dma_start3A_164 = tpu.memref_slice %arg2[%dma_start3A_161, %dma_start3A_162, %dma_start3A_163] : memref<1024x128x256xf32, #tpu.memory_space<hbm>> -> memref<1x128x256xf32, #tpu.memory_space<hbm>>
      tpu.enqueue_dma source(%dma_start3A_164 : memref<1x128x256xf32, #tpu.memory_space<hbm>>) target(%arg4 : memref<1x128x256xf32, #tpu.memory_space<vmem>>) target_semaphore(%arg5 : memref<!tpu.dma_semaphore, #tpu.memory_space<semaphore_mem>>)
      %dma_wait3A = arith.constant 326 : i32
      %dma_wait3A_165 = arith.constant 0 : i32
      %dma_wait3A_166 = arith.constant 0 : i32
      %dma_wait3A_167 = tpu.memref_slice %arg2[%dma_wait3A, %dma_wait3A_165, %dma_wait3A_166] : memref<1024x128x256xf32, #tpu.memory_space<hbm>> -> memref<1x128x256xf32, #tpu.memory_space<hbm>>
      %dma_wait3A_168 = arith.constant 326 : i32
      %dma_wait3A_169 = arith.constant 0 : i32
      %dma_wait3A_170 = arith.constant 0 : i32
      %dma_wait3A_171 = tpu.memref_slice %arg2[%dma_wait3A_168, %dma_wait3A_169, %dma_wait3A_170] : memref<1024x128x256xf32, #tpu.memory_space<hbm>> -> memref<1x128x256xf32, #tpu.memory_space<hbm>>
      tpu.wait_dma2 semaphore(%arg5 : memref<!tpu.dma_semaphore, #tpu.memory_space<semaphore_mem>>) src(%dma_wait3A_171 : memref<1x128x256xf32, #tpu.memory_space<hbm>>) dst(%arg4 : memref<1x128x256xf32, #tpu.memory_space<vmem>>)
      "tpu.region"() ({
        %run_scoped3A = tpu.sem_alloc : memref<!tpu.dma_semaphore, #tpu.memory_space<semaphore_mem>>
        %dma_start3A_172 = arith.constant 10 : i32
        %dma_start3A_173 = arith.constant 0 : i32
        %dma_start3A_174 = arith.constant 0 : i32
        %dma_start3A_175 = tpu.memref_slice %arg3[%dma_start3A_172, %dma_start3A_173, %dma_start3A_174] : memref<32x128x256xf32, #tpu.memory_space<hbm>> -> memref<1x128x256xf32, #tpu.memory_space<hbm>>
        %dma_start3A_176 = arith.constant 10 : i32
        %dma_start3A_177 = arith.constant 0 : i32
        %dma_start3A_178 = arith.constant 0 : i32
        %dma_start3A_179 = tpu.memref_slice %arg3[%dma_start3A_176, %dma_start3A_177, %dma_start3A_178] : memref<32x128x256xf32, #tpu.memory_space<hbm>> -> memref<1x128x256xf32, #tpu.memory_space<hbm>>
        tpu.enqueue_dma source(%arg4 : memref<1x128x256xf32, #tpu.memory_space<vmem>>) target(%dma_start3A_179 : memref<1x128x256xf32, #tpu.memory_space<hbm>>) target_semaphore(%run_scoped3A : memref<!tpu.dma_semaphore, #tpu.memory_space<semaphore_mem>>)
        %dma_wait3A_180 = arith.constant 10 : i32
        %dma_wait3A_181 = arith.constant 0 : i32
        %dma_wait3A_182 = arith.constant 0 : i32
        %dma_wait3A_183 = tpu.memref_slice %arg3[%dma_wait3A_180, %dma_wait3A_181, %dma_wait3A_182] : memref<32x128x256xf32, #tpu.memory_space<hbm>> -> memref<1x128x256xf32, #tpu.memory_space<hbm>>
        %dma_wait3A_184 = arith.constant 10 : i32
        %dma_wait3A_185 = arith.constant 0 : i32
        %dma_wait3A_186 = arith.constant 0 : i32
        %dma_wait3A_187 = tpu.memref_slice %arg3[%dma_wait3A_184, %dma_wait3A_185, %dma_wait3A_186] : memref<32x128x256xf32, #tpu.memory_space<hbm>> -> memref<1x128x256xf32, #tpu.memory_space<hbm>>
        tpu.wait_dma2 semaphore(%run_scoped3A : memref<!tpu.dma_semaphore, #tpu.memory_space<semaphore_mem>>) src(%arg4 : memref<1x128x256xf32, #tpu.memory_space<vmem>>) dst(%dma_wait3A_187 : memref<1x128x256xf32, #tpu.memory_space<hbm>>)
        tpu.yield
      }) : () -> ()
    } else {
    }
    %eq3A_53 = arith.constant 11 : i32
    %eq3A_54 = arith.cmpi eq, %add3A, %eq3A_53 : i32
    %convert_element_type3A_55 = arith.extui %eq3A_54 : i1 to i32
    %cond3A_56 = arith.constant 0 : i32
    %cond3A_57 = arith.cmpi ne, %convert_element_type3A_55, %cond3A_56 : i32
    scf.if %cond3A_57 {
      %dma_start3A = arith.constant 327 : i32
      %dma_start3A_158 = arith.constant 0 : i32
      %dma_start3A_159 = arith.constant 0 : i32
      %dma_start3A_160 = tpu.memref_slice %arg2[%dma_start3A, %dma_start3A_158, %dma_start3A_159] : memref<1024x128x256xf32, #tpu.memory_space<hbm>> -> memref<1x128x256xf32, #tpu.memory_space<hbm>>
      %dma_start3A_161 = arith.constant 327 : i32
      %dma_start3A_162 = arith.constant 0 : i32
      %dma_start3A_163 = arith.constant 0 : i32
      %dma_start3A_164 = tpu.memref_slice %arg2[%dma_start3A_161, %dma_start3A_162, %dma_start3A_163] : memref<1024x128x256xf32, #tpu.memory_space<hbm>> -> memref<1x128x256xf32, #tpu.memory_space<hbm>>
      tpu.enqueue_dma source(%dma_start3A_164 : memref<1x128x256xf32, #tpu.memory_space<hbm>>) target(%arg4 : memref<1x128x256xf32, #tpu.memory_space<vmem>>) target_semaphore(%arg5 : memref<!tpu.dma_semaphore, #tpu.memory_space<semaphore_mem>>)
      %dma_wait3A = arith.constant 327 : i32
      %dma_wait3A_165 = arith.constant 0 : i32
      %dma_wait3A_166 = arith.constant 0 : i32
      %dma_wait3A_167 = tpu.memref_slice %arg2[%dma_wait3A, %dma_wait3A_165, %dma_wait3A_166] : memref<1024x128x256xf32, #tpu.memory_space<hbm>> -> memref<1x128x256xf32, #tpu.memory_space<hbm>>
      %dma_wait3A_168 = arith.constant 327 : i32
      %dma_wait3A_169 = arith.constant 0 : i32
      %dma_wait3A_170 = arith.constant 0 : i32
      %dma_wait3A_171 = tpu.memref_slice %arg2[%dma_wait3A_168, %dma_wait3A_169, %dma_wait3A_170] : memref<1024x128x256xf32, #tpu.memory_space<hbm>> -> memref<1x128x256xf32, #tpu.memory_space<hbm>>
      tpu.wait_dma2 semaphore(%arg5 : memref<!tpu.dma_semaphore, #tpu.memory_space<semaphore_mem>>) src(%dma_wait3A_171 : memref<1x128x256xf32, #tpu.memory_space<hbm>>) dst(%arg4 : memref<1x128x256xf32, #tpu.memory_space<vmem>>)
      "tpu.region"() ({
        %run_scoped3A = tpu.sem_alloc : memref<!tpu.dma_semaphore, #tpu.memory_space<semaphore_mem>>
        %dma_start3A_172 = arith.constant 11 : i32
        %dma_start3A_173 = arith.constant 0 : i32
        %dma_start3A_174 = arith.constant 0 : i32
        %dma_start3A_175 = tpu.memref_slice %arg3[%dma_start3A_172, %dma_start3A_173, %dma_start3A_174] : memref<32x128x256xf32, #tpu.memory_space<hbm>> -> memref<1x128x256xf32, #tpu.memory_space<hbm>>
        %dma_start3A_176 = arith.constant 11 : i32
        %dma_start3A_177 = arith.constant 0 : i32
        %dma_start3A_178 = arith.constant 0 : i32
        %dma_start3A_179 = tpu.memref_slice %arg3[%dma_start3A_176, %dma_start3A_177, %dma_start3A_178] : memref<32x128x256xf32, #tpu.memory_space<hbm>> -> memref<1x128x256xf32, #tpu.memory_space<hbm>>
        tpu.enqueue_dma source(%arg4 : memref<1x128x256xf32, #tpu.memory_space<vmem>>) target(%dma_start3A_179 : memref<1x128x256xf32, #tpu.memory_space<hbm>>) target_semaphore(%run_scoped3A : memref<!tpu.dma_semaphore, #tpu.memory_space<semaphore_mem>>)
        %dma_wait3A_180 = arith.constant 11 : i32
        %dma_wait3A_181 = arith.constant 0 : i32
        %dma_wait3A_182 = arith.constant 0 : i32
        %dma_wait3A_183 = tpu.memref_slice %arg3[%dma_wait3A_180, %dma_wait3A_181, %dma_wait3A_182] : memref<32x128x256xf32, #tpu.memory_space<hbm>> -> memref<1x128x256xf32, #tpu.memory_space<hbm>>
        %dma_wait3A_184 = arith.constant 11 : i32
        %dma_wait3A_185 = arith.constant 0 : i32
        %dma_wait3A_186 = arith.constant 0 : i32
        %dma_wait3A_187 = tpu.memref_slice %arg3[%dma_wait3A_184, %dma_wait3A_185, %dma_wait3A_186] : memref<32x128x256xf32, #tpu.memory_space<hbm>> -> memref<1x128x256xf32, #tpu.memory_space<hbm>>
        tpu.wait_dma2 semaphore(%run_scoped3A : memref<!tpu.dma_semaphore, #tpu.memory_space<semaphore_mem>>) src(%arg4 : memref<1x128x256xf32, #tpu.memory_space<vmem>>) dst(%dma_wait3A_187 : memref<1x128x256xf32, #tpu.memory_space<hbm>>)
        tpu.yield
      }) : () -> ()
    } else {
    }
    %eq3A_58 = arith.constant 12 : i32
    %eq3A_59 = arith.cmpi eq, %add3A, %eq3A_58 : i32
    %convert_element_type3A_60 = arith.extui %eq3A_59 : i1 to i32
    %cond3A_61 = arith.constant 0 : i32
    %cond3A_62 = arith.cmpi ne, %convert_element_type3A_60, %cond3A_61 : i32
    scf.if %cond3A_62 {
      %dma_start3A = arith.constant 418 : i32
      %dma_start3A_158 = arith.constant 0 : i32
      %dma_start3A_159 = arith.constant 0 : i32
      %dma_start3A_160 = tpu.memref_slice %arg2[%dma_start3A, %dma_start3A_158, %dma_start3A_159] : memref<1024x128x256xf32, #tpu.memory_space<hbm>> -> memref<1x128x256xf32, #tpu.memory_space<hbm>>
      %dma_start3A_161 = arith.constant 418 : i32
      %dma_start3A_162 = arith.constant 0 : i32
      %dma_start3A_163 = arith.constant 0 : i32
      %dma_start3A_164 = tpu.memref_slice %arg2[%dma_start3A_161, %dma_start3A_162, %dma_start3A_163] : memref<1024x128x256xf32, #tpu.memory_space<hbm>> -> memref<1x128x256xf32, #tpu.memory_space<hbm>>
      tpu.enqueue_dma source(%dma_start3A_164 : memref<1x128x256xf32, #tpu.memory_space<hbm>>) target(%arg4 : memref<1x128x256xf32, #tpu.memory_space<vmem>>) target_semaphore(%arg5 : memref<!tpu.dma_semaphore, #tpu.memory_space<semaphore_mem>>)
      %dma_wait3A = arith.constant 418 : i32
      %dma_wait3A_165 = arith.constant 0 : i32
      %dma_wait3A_166 = arith.constant 0 : i32
      %dma_wait3A_167 = tpu.memref_slice %arg2[%dma_wait3A, %dma_wait3A_165, %dma_wait3A_166] : memref<1024x128x256xf32, #tpu.memory_space<hbm>> -> memref<1x128x256xf32, #tpu.memory_space<hbm>>
      %dma_wait3A_168 = arith.constant 418 : i32
      %dma_wait3A_169 = arith.constant 0 : i32
      %dma_wait3A_170 = arith.constant 0 : i32
      %dma_wait3A_171 = tpu.memref_slice %arg2[%dma_wait3A_168, %dma_wait3A_169, %dma_wait3A_170] : memref<1024x128x256xf32, #tpu.memory_space<hbm>> -> memref<1x128x256xf32, #tpu.memory_space<hbm>>
      tpu.wait_dma2 semaphore(%arg5 : memref<!tpu.dma_semaphore, #tpu.memory_space<semaphore_mem>>) src(%dma_wait3A_171 : memref<1x128x256xf32, #tpu.memory_space<hbm>>) dst(%arg4 : memref<1x128x256xf32, #tpu.memory_space<vmem>>)
      "tpu.region"() ({
        %run_scoped3A = tpu.sem_alloc : memref<!tpu.dma_semaphore, #tpu.memory_space<semaphore_mem>>
        %dma_start3A_172 = arith.constant 12 : i32
        %dma_start3A_173 = arith.constant 0 : i32
        %dma_start3A_174 = arith.constant 0 : i32
        %dma_start3A_175 = tpu.memref_slice %arg3[%dma_start3A_172, %dma_start3A_173, %dma_start3A_174] : memref<32x128x256xf32, #tpu.memory_space<hbm>> -> memref<1x128x256xf32, #tpu.memory_space<hbm>>
        %dma_start3A_176 = arith.constant 12 : i32
        %dma_start3A_177 = arith.constant 0 : i32
        %dma_start3A_178 = arith.constant 0 : i32
        %dma_start3A_179 = tpu.memref_slice %arg3[%dma_start3A_176, %dma_start3A_177, %dma_start3A_178] : memref<32x128x256xf32, #tpu.memory_space<hbm>> -> memref<1x128x256xf32, #tpu.memory_space<hbm>>
        tpu.enqueue_dma source(%arg4 : memref<1x128x256xf32, #tpu.memory_space<vmem>>) target(%dma_start3A_179 : memref<1x128x256xf32, #tpu.memory_space<hbm>>) target_semaphore(%run_scoped3A : memref<!tpu.dma_semaphore, #tpu.memory_space<semaphore_mem>>)
        %dma_wait3A_180 = arith.constant 12 : i32
        %dma_wait3A_181 = arith.constant 0 : i32
        %dma_wait3A_182 = arith.constant 0 : i32
        %dma_wait3A_183 = tpu.memref_slice %arg3[%dma_wait3A_180, %dma_wait3A_181, %dma_wait3A_182] : memref<32x128x256xf32, #tpu.memory_space<hbm>> -> memref<1x128x256xf32, #tpu.memory_space<hbm>>
        %dma_wait3A_184 = arith.constant 12 : i32
        %dma_wait3A_185 = arith.constant 0 : i32
        %dma_wait3A_186 = arith.constant 0 : i32
        %dma_wait3A_187 = tpu.memref_slice %arg3[%dma_wait3A_184, %dma_wait3A_185, %dma_wait3A_186] : memref<32x128x256xf32, #tpu.memory_space<hbm>> -> memref<1x128x256xf32, #tpu.memory_space<hbm>>
        tpu.wait_dma2 semaphore(%run_scoped3A : memref<!tpu.dma_semaphore, #tpu.memory_space<semaphore_mem>>) src(%arg4 : memref<1x128x256xf32, #tpu.memory_space<vmem>>) dst(%dma_wait3A_187 : memref<1x128x256xf32, #tpu.memory_space<hbm>>)
        tpu.yield
      }) : () -> ()
    } else {
    }
    %eq3A_63 = arith.constant 13 : i32
    %eq3A_64 = arith.cmpi eq, %add3A, %eq3A_63 : i32
    %convert_element_type3A_65 = arith.extui %eq3A_64 : i1 to i32
    %cond3A_66 = arith.constant 0 : i32
    %cond3A_67 = arith.cmpi ne, %convert_element_type3A_65, %cond3A_66 : i32
    scf.if %cond3A_67 {
      %dma_start3A = arith.constant 419 : i32
      %dma_start3A_158 = arith.constant 0 : i32
      %dma_start3A_159 = arith.constant 0 : i32
      %dma_start3A_160 = tpu.memref_slice %arg2[%dma_start3A, %dma_start3A_158, %dma_start3A_159] : memref<1024x128x256xf32, #tpu.memory_space<hbm>> -> memref<1x128x256xf32, #tpu.memory_space<hbm>>
      %dma_start3A_161 = arith.constant 419 : i32
      %dma_start3A_162 = arith.constant 0 : i32
      %dma_start3A_163 = arith.constant 0 : i32
      %dma_start3A_164 = tpu.memref_slice %arg2[%dma_start3A_161, %dma_start3A_162, %dma_start3A_163] : memref<1024x128x256xf32, #tpu.memory_space<hbm>> -> memref<1x128x256xf32, #tpu.memory_space<hbm>>
      tpu.enqueue_dma source(%dma_start3A_164 : memref<1x128x256xf32, #tpu.memory_space<hbm>>) target(%arg4 : memref<1x128x256xf32, #tpu.memory_space<vmem>>) target_semaphore(%arg5 : memref<!tpu.dma_semaphore, #tpu.memory_space<semaphore_mem>>)
      %dma_wait3A = arith.constant 419 : i32
      %dma_wait3A_165 = arith.constant 0 : i32
      %dma_wait3A_166 = arith.constant 0 : i32
      %dma_wait3A_167 = tpu.memref_slice %arg2[%dma_wait3A, %dma_wait3A_165, %dma_wait3A_166] : memref<1024x128x256xf32, #tpu.memory_space<hbm>> -> memref<1x128x256xf32, #tpu.memory_space<hbm>>
      %dma_wait3A_168 = arith.constant 419 : i32
      %dma_wait3A_169 = arith.constant 0 : i32
      %dma_wait3A_170 = arith.constant 0 : i32
      %dma_wait3A_171 = tpu.memref_slice %arg2[%dma_wait3A_168, %dma_wait3A_169, %dma_wait3A_170] : memref<1024x128x256xf32, #tpu.memory_space<hbm>> -> memref<1x128x256xf32, #tpu.memory_space<hbm>>
      tpu.wait_dma2 semaphore(%arg5 : memref<!tpu.dma_semaphore, #tpu.memory_space<semaphore_mem>>) src(%dma_wait3A_171 : memref<1x128x256xf32, #tpu.memory_space<hbm>>) dst(%arg4 : memref<1x128x256xf32, #tpu.memory_space<vmem>>)
      "tpu.region"() ({
        %run_scoped3A = tpu.sem_alloc : memref<!tpu.dma_semaphore, #tpu.memory_space<semaphore_mem>>
        %dma_start3A_172 = arith.constant 13 : i32
        %dma_start3A_173 = arith.constant 0 : i32
        %dma_start3A_174 = arith.constant 0 : i32
        %dma_start3A_175 = tpu.memref_slice %arg3[%dma_start3A_172, %dma_start3A_173, %dma_start3A_174] : memref<32x128x256xf32, #tpu.memory_space<hbm>> -> memref<1x128x256xf32, #tpu.memory_space<hbm>>
        %dma_start3A_176 = arith.constant 13 : i32
        %dma_start3A_177 = arith.constant 0 : i32
        %dma_start3A_178 = arith.constant 0 : i32
        %dma_start3A_179 = tpu.memref_slice %arg3[%dma_start3A_176, %dma_start3A_177, %dma_start3A_178] : memref<32x128x256xf32, #tpu.memory_space<hbm>> -> memref<1x128x256xf32, #tpu.memory_space<hbm>>
        tpu.enqueue_dma source(%arg4 : memref<1x128x256xf32, #tpu.memory_space<vmem>>) target(%dma_start3A_179 : memref<1x128x256xf32, #tpu.memory_space<hbm>>) target_semaphore(%run_scoped3A : memref<!tpu.dma_semaphore, #tpu.memory_space<semaphore_mem>>)
        %dma_wait3A_180 = arith.constant 13 : i32
        %dma_wait3A_181 = arith.constant 0 : i32
        %dma_wait3A_182 = arith.constant 0 : i32
        %dma_wait3A_183 = tpu.memref_slice %arg3[%dma_wait3A_180, %dma_wait3A_181, %dma_wait3A_182] : memref<32x128x256xf32, #tpu.memory_space<hbm>> -> memref<1x128x256xf32, #tpu.memory_space<hbm>>
        %dma_wait3A_184 = arith.constant 13 : i32
        %dma_wait3A_185 = arith.constant 0 : i32
        %dma_wait3A_186 = arith.constant 0 : i32
        %dma_wait3A_187 = tpu.memref_slice %arg3[%dma_wait3A_184, %dma_wait3A_185, %dma_wait3A_186] : memref<32x128x256xf32, #tpu.memory_space<hbm>> -> memref<1x128x256xf32, #tpu.memory_space<hbm>>
        tpu.wait_dma2 semaphore(%run_scoped3A : memref<!tpu.dma_semaphore, #tpu.memory_space<semaphore_mem>>) src(%arg4 : memref<1x128x256xf32, #tpu.memory_space<vmem>>) dst(%dma_wait3A_187 : memref<1x128x256xf32, #tpu.memory_space<hbm>>)
        tpu.yield
      }) : () -> ()
    } else {
    }
    %eq3A_68 = arith.constant 14 : i32
    %eq3A_69 = arith.cmpi eq, %add3A, %eq3A_68 : i32
    %convert_element_type3A_70 = arith.extui %eq3A_69 : i1 to i32
    %cond3A_71 = arith.constant 0 : i32
    %cond3A_72 = arith.cmpi ne, %convert_element_type3A_70, %cond3A_71 : i32
    scf.if %cond3A_72 {
      %dma_start3A = arith.constant 494 : i32
      %dma_start3A_158 = arith.constant 0 : i32
      %dma_start3A_159 = arith.constant 0 : i32
      %dma_start3A_160 = tpu.memref_slice %arg2[%dma_start3A, %dma_start3A_158, %dma_start3A_159] : memref<1024x128x256xf32, #tpu.memory_space<hbm>> -> memref<1x128x256xf32, #tpu.memory_space<hbm>>
      %dma_start3A_161 = arith.constant 494 : i32
      %dma_start3A_162 = arith.constant 0 : i32
      %dma_start3A_163 = arith.constant 0 : i32
      %dma_start3A_164 = tpu.memref_slice %arg2[%dma_start3A_161, %dma_start3A_162, %dma_start3A_163] : memref<1024x128x256xf32, #tpu.memory_space<hbm>> -> memref<1x128x256xf32, #tpu.memory_space<hbm>>
      tpu.enqueue_dma source(%dma_start3A_164 : memref<1x128x256xf32, #tpu.memory_space<hbm>>) target(%arg4 : memref<1x128x256xf32, #tpu.memory_space<vmem>>) target_semaphore(%arg5 : memref<!tpu.dma_semaphore, #tpu.memory_space<semaphore_mem>>)
      %dma_wait3A = arith.constant 494 : i32
      %dma_wait3A_165 = arith.constant 0 : i32
      %dma_wait3A_166 = arith.constant 0 : i32
      %dma_wait3A_167 = tpu.memref_slice %arg2[%dma_wait3A, %dma_wait3A_165, %dma_wait3A_166] : memref<1024x128x256xf32, #tpu.memory_space<hbm>> -> memref<1x128x256xf32, #tpu.memory_space<hbm>>
      %dma_wait3A_168 = arith.constant 494 : i32
      %dma_wait3A_169 = arith.constant 0 : i32
      %dma_wait3A_170 = arith.constant 0 : i32
      %dma_wait3A_171 = tpu.memref_slice %arg2[%dma_wait3A_168, %dma_wait3A_169, %dma_wait3A_170] : memref<1024x128x256xf32, #tpu.memory_space<hbm>> -> memref<1x128x256xf32, #tpu.memory_space<hbm>>
      tpu.wait_dma2 semaphore(%arg5 : memref<!tpu.dma_semaphore, #tpu.memory_space<semaphore_mem>>) src(%dma_wait3A_171 : memref<1x128x256xf32, #tpu.memory_space<hbm>>) dst(%arg4 : memref<1x128x256xf32, #tpu.memory_space<vmem>>)
      "tpu.region"() ({
        %run_scoped3A = tpu.sem_alloc : memref<!tpu.dma_semaphore, #tpu.memory_space<semaphore_mem>>
        %dma_start3A_172 = arith.constant 14 : i32
        %dma_start3A_173 = arith.constant 0 : i32
        %dma_start3A_174 = arith.constant 0 : i32
        %dma_start3A_175 = tpu.memref_slice %arg3[%dma_start3A_172, %dma_start3A_173, %dma_start3A_174] : memref<32x128x256xf32, #tpu.memory_space<hbm>> -> memref<1x128x256xf32, #tpu.memory_space<hbm>>
        %dma_start3A_176 = arith.constant 14 : i32
        %dma_start3A_177 = arith.constant 0 : i32
        %dma_start3A_178 = arith.constant 0 : i32
        %dma_start3A_179 = tpu.memref_slice %arg3[%dma_start3A_176, %dma_start3A_177, %dma_start3A_178] : memref<32x128x256xf32, #tpu.memory_space<hbm>> -> memref<1x128x256xf32, #tpu.memory_space<hbm>>
        tpu.enqueue_dma source(%arg4 : memref<1x128x256xf32, #tpu.memory_space<vmem>>) target(%dma_start3A_179 : memref<1x128x256xf32, #tpu.memory_space<hbm>>) target_semaphore(%run_scoped3A : memref<!tpu.dma_semaphore, #tpu.memory_space<semaphore_mem>>)
        %dma_wait3A_180 = arith.constant 14 : i32
        %dma_wait3A_181 = arith.constant 0 : i32
        %dma_wait3A_182 = arith.constant 0 : i32
        %dma_wait3A_183 = tpu.memref_slice %arg3[%dma_wait3A_180, %dma_wait3A_181, %dma_wait3A_182] : memref<32x128x256xf32, #tpu.memory_space<hbm>> -> memref<1x128x256xf32, #tpu.memory_space<hbm>>
        %dma_wait3A_184 = arith.constant 14 : i32
        %dma_wait3A_185 = arith.constant 0 : i32
        %dma_wait3A_186 = arith.constant 0 : i32
        %dma_wait3A_187 = tpu.memref_slice %arg3[%dma_wait3A_184, %dma_wait3A_185, %dma_wait3A_186] : memref<32x128x256xf32, #tpu.memory_space<hbm>> -> memref<1x128x256xf32, #tpu.memory_space<hbm>>
        tpu.wait_dma2 semaphore(%run_scoped3A : memref<!tpu.dma_semaphore, #tpu.memory_space<semaphore_mem>>) src(%arg4 : memref<1x128x256xf32, #tpu.memory_space<vmem>>) dst(%dma_wait3A_187 : memref<1x128x256xf32, #tpu.memory_space<hbm>>)
        tpu.yield
      }) : () -> ()
    } else {
    }
    %eq3A_73 = arith.constant 15 : i32
    %eq3A_74 = arith.cmpi eq, %add3A, %eq3A_73 : i32
    %convert_element_type3A_75 = arith.extui %eq3A_74 : i1 to i32
    %cond3A_76 = arith.constant 0 : i32
    %cond3A_77 = arith.cmpi ne, %convert_element_type3A_75, %cond3A_76 : i32
    scf.if %cond3A_77 {
      %dma_start3A = arith.constant 495 : i32
      %dma_start3A_158 = arith.constant 0 : i32
      %dma_start3A_159 = arith.constant 0 : i32
      %dma_start3A_160 = tpu.memref_slice %arg2[%dma_start3A, %dma_start3A_158, %dma_start3A_159] : memref<1024x128x256xf32, #tpu.memory_space<hbm>> -> memref<1x128x256xf32, #tpu.memory_space<hbm>>
      %dma_start3A_161 = arith.constant 495 : i32
      %dma_start3A_162 = arith.constant 0 : i32
      %dma_start3A_163 = arith.constant 0 : i32
      %dma_start3A_164 = tpu.memref_slice %arg2[%dma_start3A_161, %dma_start3A_162, %dma_start3A_163] : memref<1024x128x256xf32, #tpu.memory_space<hbm>> -> memref<1x128x256xf32, #tpu.memory_space<hbm>>
      tpu.enqueue_dma source(%dma_start3A_164 : memref<1x128x256xf32, #tpu.memory_space<hbm>>) target(%arg4 : memref<1x128x256xf32, #tpu.memory_space<vmem>>) target_semaphore(%arg5 : memref<!tpu.dma_semaphore, #tpu.memory_space<semaphore_mem>>)
      %dma_wait3A = arith.constant 495 : i32
      %dma_wait3A_165 = arith.constant 0 : i32
      %dma_wait3A_166 = arith.constant 0 : i32
      %dma_wait3A_167 = tpu.memref_slice %arg2[%dma_wait3A, %dma_wait3A_165, %dma_wait3A_166] : memref<1024x128x256xf32, #tpu.memory_space<hbm>> -> memref<1x128x256xf32, #tpu.memory_space<hbm>>
      %dma_wait3A_168 = arith.constant 495 : i32
      %dma_wait3A_169 = arith.constant 0 : i32
      %dma_wait3A_170 = arith.constant 0 : i32
      %dma_wait3A_171 = tpu.memref_slice %arg2[%dma_wait3A_168, %dma_wait3A_169, %dma_wait3A_170] : memref<1024x128x256xf32, #tpu.memory_space<hbm>> -> memref<1x128x256xf32, #tpu.memory_space<hbm>>
      tpu.wait_dma2 semaphore(%arg5 : memref<!tpu.dma_semaphore, #tpu.memory_space<semaphore_mem>>) src(%dma_wait3A_171 : memref<1x128x256xf32, #tpu.memory_space<hbm>>) dst(%arg4 : memref<1x128x256xf32, #tpu.memory_space<vmem>>)
      "tpu.region"() ({
        %run_scoped3A = tpu.sem_alloc : memref<!tpu.dma_semaphore, #tpu.memory_space<semaphore_mem>>
        %dma_start3A_172 = arith.constant 15 : i32
        %dma_start3A_173 = arith.constant 0 : i32
        %dma_start3A_174 = arith.constant 0 : i32
        %dma_start3A_175 = tpu.memref_slice %arg3[%dma_start3A_172, %dma_start3A_173, %dma_start3A_174] : memref<32x128x256xf32, #tpu.memory_space<hbm>> -> memref<1x128x256xf32, #tpu.memory_space<hbm>>
        %dma_start3A_176 = arith.constant 15 : i32
        %dma_start3A_177 = arith.constant 0 : i32
        %dma_start3A_178 = arith.constant 0 : i32
        %dma_start3A_179 = tpu.memref_slice %arg3[%dma_start3A_176, %dma_start3A_177, %dma_start3A_178] : memref<32x128x256xf32, #tpu.memory_space<hbm>> -> memref<1x128x256xf32, #tpu.memory_space<hbm>>
        tpu.enqueue_dma source(%arg4 : memref<1x128x256xf32, #tpu.memory_space<vmem>>) target(%dma_start3A_179 : memref<1x128x256xf32, #tpu.memory_space<hbm>>) target_semaphore(%run_scoped3A : memref<!tpu.dma_semaphore, #tpu.memory_space<semaphore_mem>>)
        %dma_wait3A_180 = arith.constant 15 : i32
        %dma_wait3A_181 = arith.constant 0 : i32
        %dma_wait3A_182 = arith.constant 0 : i32
        %dma_wait3A_183 = tpu.memref_slice %arg3[%dma_wait3A_180, %dma_wait3A_181, %dma_wait3A_182] : memref<32x128x256xf32, #tpu.memory_space<hbm>> -> memref<1x128x256xf32, #tpu.memory_space<hbm>>
        %dma_wait3A_184 = arith.constant 15 : i32
        %dma_wait3A_185 = arith.constant 0 : i32
        %dma_wait3A_186 = arith.constant 0 : i32
        %dma_wait3A_187 = tpu.memref_slice %arg3[%dma_wait3A_184, %dma_wait3A_185, %dma_wait3A_186] : memref<32x128x256xf32, #tpu.memory_space<hbm>> -> memref<1x128x256xf32, #tpu.memory_space<hbm>>
        tpu.wait_dma2 semaphore(%run_scoped3A : memref<!tpu.dma_semaphore, #tpu.memory_space<semaphore_mem>>) src(%arg4 : memref<1x128x256xf32, #tpu.memory_space<vmem>>) dst(%dma_wait3A_187 : memref<1x128x256xf32, #tpu.memory_space<hbm>>)
        tpu.yield
      }) : () -> ()
    } else {
    }
    %eq3A_78 = arith.constant 16 : i32
    %eq3A_79 = arith.cmpi eq, %add3A, %eq3A_78 : i32
    %convert_element_type3A_80 = arith.extui %eq3A_79 : i1 to i32
    %cond3A_81 = arith.constant 0 : i32
    %cond3A_82 = arith.cmpi ne, %convert_element_type3A_80, %cond3A_81 : i32
    scf.if %cond3A_82 {
      %dma_start3A = arith.constant 516 : i32
      %dma_start3A_158 = arith.constant 0 : i32
      %dma_start3A_159 = arith.constant 0 : i32
      %dma_start3A_160 = tpu.memref_slice %arg2[%dma_start3A, %dma_start3A_158, %dma_start3A_159] : memref<1024x128x256xf32, #tpu.memory_space<hbm>> -> memref<1x128x256xf32, #tpu.memory_space<hbm>>
      %dma_start3A_161 = arith.constant 516 : i32
      %dma_start3A_162 = arith.constant 0 : i32
      %dma_start3A_163 = arith.constant 0 : i32
      %dma_start3A_164 = tpu.memref_slice %arg2[%dma_start3A_161, %dma_start3A_162, %dma_start3A_163] : memref<1024x128x256xf32, #tpu.memory_space<hbm>> -> memref<1x128x256xf32, #tpu.memory_space<hbm>>
      tpu.enqueue_dma source(%dma_start3A_164 : memref<1x128x256xf32, #tpu.memory_space<hbm>>) target(%arg4 : memref<1x128x256xf32, #tpu.memory_space<vmem>>) target_semaphore(%arg5 : memref<!tpu.dma_semaphore, #tpu.memory_space<semaphore_mem>>)
      %dma_wait3A = arith.constant 516 : i32
      %dma_wait3A_165 = arith.constant 0 : i32
      %dma_wait3A_166 = arith.constant 0 : i32
      %dma_wait3A_167 = tpu.memref_slice %arg2[%dma_wait3A, %dma_wait3A_165, %dma_wait3A_166] : memref<1024x128x256xf32, #tpu.memory_space<hbm>> -> memref<1x128x256xf32, #tpu.memory_space<hbm>>
      %dma_wait3A_168 = arith.constant 516 : i32
      %dma_wait3A_169 = arith.constant 0 : i32
      %dma_wait3A_170 = arith.constant 0 : i32
      %dma_wait3A_171 = tpu.memref_slice %arg2[%dma_wait3A_168, %dma_wait3A_169, %dma_wait3A_170] : memref<1024x128x256xf32, #tpu.memory_space<hbm>> -> memref<1x128x256xf32, #tpu.memory_space<hbm>>
      tpu.wait_dma2 semaphore(%arg5 : memref<!tpu.dma_semaphore, #tpu.memory_space<semaphore_mem>>) src(%dma_wait3A_171 : memref<1x128x256xf32, #tpu.memory_space<hbm>>) dst(%arg4 : memref<1x128x256xf32, #tpu.memory_space<vmem>>)
      "tpu.region"() ({
        %run_scoped3A = tpu.sem_alloc : memref<!tpu.dma_semaphore, #tpu.memory_space<semaphore_mem>>
        %dma_start3A_172 = arith.constant 16 : i32
        %dma_start3A_173 = arith.constant 0 : i32
        %dma_start3A_174 = arith.constant 0 : i32
        %dma_start3A_175 = tpu.memref_slice %arg3[%dma_start3A_172, %dma_start3A_173, %dma_start3A_174] : memref<32x128x256xf32, #tpu.memory_space<hbm>> -> memref<1x128x256xf32, #tpu.memory_space<hbm>>
        %dma_start3A_176 = arith.constant 16 : i32
        %dma_start3A_177 = arith.constant 0 : i32
        %dma_start3A_178 = arith.constant 0 : i32
        %dma_start3A_179 = tpu.memref_slice %arg3[%dma_start3A_176, %dma_start3A_177, %dma_start3A_178] : memref<32x128x256xf32, #tpu.memory_space<hbm>> -> memref<1x128x256xf32, #tpu.memory_space<hbm>>
        tpu.enqueue_dma source(%arg4 : memref<1x128x256xf32, #tpu.memory_space<vmem>>) target(%dma_start3A_179 : memref<1x128x256xf32, #tpu.memory_space<hbm>>) target_semaphore(%run_scoped3A : memref<!tpu.dma_semaphore, #tpu.memory_space<semaphore_mem>>)
        %dma_wait3A_180 = arith.constant 16 : i32
        %dma_wait3A_181 = arith.constant 0 : i32
        %dma_wait3A_182 = arith.constant 0 : i32
        %dma_wait3A_183 = tpu.memref_slice %arg3[%dma_wait3A_180, %dma_wait3A_181, %dma_wait3A_182] : memref<32x128x256xf32, #tpu.memory_space<hbm>> -> memref<1x128x256xf32, #tpu.memory_space<hbm>>
        %dma_wait3A_184 = arith.constant 16 : i32
        %dma_wait3A_185 = arith.constant 0 : i32
        %dma_wait3A_186 = arith.constant 0 : i32
        %dma_wait3A_187 = tpu.memref_slice %arg3[%dma_wait3A_184, %dma_wait3A_185, %dma_wait3A_186] : memref<32x128x256xf32, #tpu.memory_space<hbm>> -> memref<1x128x256xf32, #tpu.memory_space<hbm>>
        tpu.wait_dma2 semaphore(%run_scoped3A : memref<!tpu.dma_semaphore, #tpu.memory_space<semaphore_mem>>) src(%arg4 : memref<1x128x256xf32, #tpu.memory_space<vmem>>) dst(%dma_wait3A_187 : memref<1x128x256xf32, #tpu.memory_space<hbm>>)
        tpu.yield
      }) : () -> ()
    } else {
    }
    %eq3A_83 = arith.constant 17 : i32
    %eq3A_84 = arith.cmpi eq, %add3A, %eq3A_83 : i32
    %convert_element_type3A_85 = arith.extui %eq3A_84 : i1 to i32
    %cond3A_86 = arith.constant 0 : i32
    %cond3A_87 = arith.cmpi ne, %convert_element_type3A_85, %cond3A_86 : i32
    scf.if %cond3A_87 {
      %dma_start3A = arith.constant 517 : i32
      %dma_start3A_158 = arith.constant 0 : i32
      %dma_start3A_159 = arith.constant 0 : i32
      %dma_start3A_160 = tpu.memref_slice %arg2[%dma_start3A, %dma_start3A_158, %dma_start3A_159] : memref<1024x128x256xf32, #tpu.memory_space<hbm>> -> memref<1x128x256xf32, #tpu.memory_space<hbm>>
      %dma_start3A_161 = arith.constant 517 : i32
      %dma_start3A_162 = arith.constant 0 : i32
      %dma_start3A_163 = arith.constant 0 : i32
      %dma_start3A_164 = tpu.memref_slice %arg2[%dma_start3A_161, %dma_start3A_162, %dma_start3A_163] : memref<1024x128x256xf32, #tpu.memory_space<hbm>> -> memref<1x128x256xf32, #tpu.memory_space<hbm>>
      tpu.enqueue_dma source(%dma_start3A_164 : memref<1x128x256xf32, #tpu.memory_space<hbm>>) target(%arg4 : memref<1x128x256xf32, #tpu.memory_space<vmem>>) target_semaphore(%arg5 : memref<!tpu.dma_semaphore, #tpu.memory_space<semaphore_mem>>)
      %dma_wait3A = arith.constant 517 : i32
      %dma_wait3A_165 = arith.constant 0 : i32
      %dma_wait3A_166 = arith.constant 0 : i32
      %dma_wait3A_167 = tpu.memref_slice %arg2[%dma_wait3A, %dma_wait3A_165, %dma_wait3A_166] : memref<1024x128x256xf32, #tpu.memory_space<hbm>> -> memref<1x128x256xf32, #tpu.memory_space<hbm>>
      %dma_wait3A_168 = arith.constant 517 : i32
      %dma_wait3A_169 = arith.constant 0 : i32
      %dma_wait3A_170 = arith.constant 0 : i32
      %dma_wait3A_171 = tpu.memref_slice %arg2[%dma_wait3A_168, %dma_wait3A_169, %dma_wait3A_170] : memref<1024x128x256xf32, #tpu.memory_space<hbm>> -> memref<1x128x256xf32, #tpu.memory_space<hbm>>
      tpu.wait_dma2 semaphore(%arg5 : memref<!tpu.dma_semaphore, #tpu.memory_space<semaphore_mem>>) src(%dma_wait3A_171 : memref<1x128x256xf32, #tpu.memory_space<hbm>>) dst(%arg4 : memref<1x128x256xf32, #tpu.memory_space<vmem>>)
      "tpu.region"() ({
        %run_scoped3A = tpu.sem_alloc : memref<!tpu.dma_semaphore, #tpu.memory_space<semaphore_mem>>
        %dma_start3A_172 = arith.constant 17 : i32
        %dma_start3A_173 = arith.constant 0 : i32
        %dma_start3A_174 = arith.constant 0 : i32
        %dma_start3A_175 = tpu.memref_slice %arg3[%dma_start3A_172, %dma_start3A_173, %dma_start3A_174] : memref<32x128x256xf32, #tpu.memory_space<hbm>> -> memref<1x128x256xf32, #tpu.memory_space<hbm>>
        %dma_start3A_176 = arith.constant 17 : i32
        %dma_start3A_177 = arith.constant 0 : i32
        %dma_start3A_178 = arith.constant 0 : i32
        %dma_start3A_179 = tpu.memref_slice %arg3[%dma_start3A_176, %dma_start3A_177, %dma_start3A_178] : memref<32x128x256xf32, #tpu.memory_space<hbm>> -> memref<1x128x256xf32, #tpu.memory_space<hbm>>
        tpu.enqueue_dma source(%arg4 : memref<1x128x256xf32, #tpu.memory_space<vmem>>) target(%dma_start3A_179 : memref<1x128x256xf32, #tpu.memory_space<hbm>>) target_semaphore(%run_scoped3A : memref<!tpu.dma_semaphore, #tpu.memory_space<semaphore_mem>>)
        %dma_wait3A_180 = arith.constant 17 : i32
        %dma_wait3A_181 = arith.constant 0 : i32
        %dma_wait3A_182 = arith.constant 0 : i32
        %dma_wait3A_183 = tpu.memref_slice %arg3[%dma_wait3A_180, %dma_wait3A_181, %dma_wait3A_182] : memref<32x128x256xf32, #tpu.memory_space<hbm>> -> memref<1x128x256xf32, #tpu.memory_space<hbm>>
        %dma_wait3A_184 = arith.constant 17 : i32
        %dma_wait3A_185 = arith.constant 0 : i32
        %dma_wait3A_186 = arith.constant 0 : i32
        %dma_wait3A_187 = tpu.memref_slice %arg3[%dma_wait3A_184, %dma_wait3A_185, %dma_wait3A_186] : memref<32x128x256xf32, #tpu.memory_space<hbm>> -> memref<1x128x256xf32, #tpu.memory_space<hbm>>
        tpu.wait_dma2 semaphore(%run_scoped3A : memref<!tpu.dma_semaphore, #tpu.memory_space<semaphore_mem>>) src(%arg4 : memref<1x128x256xf32, #tpu.memory_space<vmem>>) dst(%dma_wait3A_187 : memref<1x128x256xf32, #tpu.memory_space<hbm>>)
        tpu.yield
      }) : () -> ()
    } else {
    }
    %eq3A_88 = arith.constant 18 : i32
    %eq3A_89 = arith.cmpi eq, %add3A, %eq3A_88 : i32
    %convert_element_type3A_90 = arith.extui %eq3A_89 : i1 to i32
    %cond3A_91 = arith.constant 0 : i32
    %cond3A_92 = arith.cmpi ne, %convert_element_type3A_90, %cond3A_91 : i32
    scf.if %cond3A_92 {
      %dma_start3A = arith.constant 612 : i32
      %dma_start3A_158 = arith.constant 0 : i32
      %dma_start3A_159 = arith.constant 0 : i32
      %dma_start3A_160 = tpu.memref_slice %arg2[%dma_start3A, %dma_start3A_158, %dma_start3A_159] : memref<1024x128x256xf32, #tpu.memory_space<hbm>> -> memref<1x128x256xf32, #tpu.memory_space<hbm>>
      %dma_start3A_161 = arith.constant 612 : i32
      %dma_start3A_162 = arith.constant 0 : i32
      %dma_start3A_163 = arith.constant 0 : i32
      %dma_start3A_164 = tpu.memref_slice %arg2[%dma_start3A_161, %dma_start3A_162, %dma_start3A_163] : memref<1024x128x256xf32, #tpu.memory_space<hbm>> -> memref<1x128x256xf32, #tpu.memory_space<hbm>>
      tpu.enqueue_dma source(%dma_start3A_164 : memref<1x128x256xf32, #tpu.memory_space<hbm>>) target(%arg4 : memref<1x128x256xf32, #tpu.memory_space<vmem>>) target_semaphore(%arg5 : memref<!tpu.dma_semaphore, #tpu.memory_space<semaphore_mem>>)
      %dma_wait3A = arith.constant 612 : i32
      %dma_wait3A_165 = arith.constant 0 : i32
      %dma_wait3A_166 = arith.constant 0 : i32
      %dma_wait3A_167 = tpu.memref_slice %arg2[%dma_wait3A, %dma_wait3A_165, %dma_wait3A_166] : memref<1024x128x256xf32, #tpu.memory_space<hbm>> -> memref<1x128x256xf32, #tpu.memory_space<hbm>>
      %dma_wait3A_168 = arith.constant 612 : i32
      %dma_wait3A_169 = arith.constant 0 : i32
      %dma_wait3A_170 = arith.constant 0 : i32
      %dma_wait3A_171 = tpu.memref_slice %arg2[%dma_wait3A_168, %dma_wait3A_169, %dma_wait3A_170] : memref<1024x128x256xf32, #tpu.memory_space<hbm>> -> memref<1x128x256xf32, #tpu.memory_space<hbm>>
      tpu.wait_dma2 semaphore(%arg5 : memref<!tpu.dma_semaphore, #tpu.memory_space<semaphore_mem>>) src(%dma_wait3A_171 : memref<1x128x256xf32, #tpu.memory_space<hbm>>) dst(%arg4 : memref<1x128x256xf32, #tpu.memory_space<vmem>>)
      "tpu.region"() ({
        %run_scoped3A = tpu.sem_alloc : memref<!tpu.dma_semaphore, #tpu.memory_space<semaphore_mem>>
        %dma_start3A_172 = arith.constant 18 : i32
        %dma_start3A_173 = arith.constant 0 : i32
        %dma_start3A_174 = arith.constant 0 : i32
        %dma_start3A_175 = tpu.memref_slice %arg3[%dma_start3A_172, %dma_start3A_173, %dma_start3A_174] : memref<32x128x256xf32, #tpu.memory_space<hbm>> -> memref<1x128x256xf32, #tpu.memory_space<hbm>>
        %dma_start3A_176 = arith.constant 18 : i32
        %dma_start3A_177 = arith.constant 0 : i32
        %dma_start3A_178 = arith.constant 0 : i32
        %dma_start3A_179 = tpu.memref_slice %arg3[%dma_start3A_176, %dma_start3A_177, %dma_start3A_178] : memref<32x128x256xf32, #tpu.memory_space<hbm>> -> memref<1x128x256xf32, #tpu.memory_space<hbm>>
        tpu.enqueue_dma source(%arg4 : memref<1x128x256xf32, #tpu.memory_space<vmem>>) target(%dma_start3A_179 : memref<1x128x256xf32, #tpu.memory_space<hbm>>) target_semaphore(%run_scoped3A : memref<!tpu.dma_semaphore, #tpu.memory_space<semaphore_mem>>)
        %dma_wait3A_180 = arith.constant 18 : i32
        %dma_wait3A_181 = arith.constant 0 : i32
        %dma_wait3A_182 = arith.constant 0 : i32
        %dma_wait3A_183 = tpu.memref_slice %arg3[%dma_wait3A_180, %dma_wait3A_181, %dma_wait3A_182] : memref<32x128x256xf32, #tpu.memory_space<hbm>> -> memref<1x128x256xf32, #tpu.memory_space<hbm>>
        %dma_wait3A_184 = arith.constant 18 : i32
        %dma_wait3A_185 = arith.constant 0 : i32
        %dma_wait3A_186 = arith.constant 0 : i32
        %dma_wait3A_187 = tpu.memref_slice %arg3[%dma_wait3A_184, %dma_wait3A_185, %dma_wait3A_186] : memref<32x128x256xf32, #tpu.memory_space<hbm>> -> memref<1x128x256xf32, #tpu.memory_space<hbm>>
        tpu.wait_dma2 semaphore(%run_scoped3A : memref<!tpu.dma_semaphore, #tpu.memory_space<semaphore_mem>>) src(%arg4 : memref<1x128x256xf32, #tpu.memory_space<vmem>>) dst(%dma_wait3A_187 : memref<1x128x256xf32, #tpu.memory_space<hbm>>)
        tpu.yield
      }) : () -> ()
    } else {
    }
    %eq3A_93 = arith.constant 19 : i32
    %eq3A_94 = arith.cmpi eq, %add3A, %eq3A_93 : i32
    %convert_element_type3A_95 = arith.extui %eq3A_94 : i1 to i32
    %cond3A_96 = arith.constant 0 : i32
    %cond3A_97 = arith.cmpi ne, %convert_element_type3A_95, %cond3A_96 : i32
    scf.if %cond3A_97 {
      %dma_start3A = arith.constant 613 : i32
      %dma_start3A_158 = arith.constant 0 : i32
      %dma_start3A_159 = arith.constant 0 : i32
      %dma_start3A_160 = tpu.memref_slice %arg2[%dma_start3A, %dma_start3A_158, %dma_start3A_159] : memref<1024x128x256xf32, #tpu.memory_space<hbm>> -> memref<1x128x256xf32, #tpu.memory_space<hbm>>
      %dma_start3A_161 = arith.constant 613 : i32
      %dma_start3A_162 = arith.constant 0 : i32
      %dma_start3A_163 = arith.constant 0 : i32
      %dma_start3A_164 = tpu.memref_slice %arg2[%dma_start3A_161, %dma_start3A_162, %dma_start3A_163] : memref<1024x128x256xf32, #tpu.memory_space<hbm>> -> memref<1x128x256xf32, #tpu.memory_space<hbm>>
      tpu.enqueue_dma source(%dma_start3A_164 : memref<1x128x256xf32, #tpu.memory_space<hbm>>) target(%arg4 : memref<1x128x256xf32, #tpu.memory_space<vmem>>) target_semaphore(%arg5 : memref<!tpu.dma_semaphore, #tpu.memory_space<semaphore_mem>>)
      %dma_wait3A = arith.constant 613 : i32
      %dma_wait3A_165 = arith.constant 0 : i32
      %dma_wait3A_166 = arith.constant 0 : i32
      %dma_wait3A_167 = tpu.memref_slice %arg2[%dma_wait3A, %dma_wait3A_165, %dma_wait3A_166] : memref<1024x128x256xf32, #tpu.memory_space<hbm>> -> memref<1x128x256xf32, #tpu.memory_space<hbm>>
      %dma_wait3A_168 = arith.constant 613 : i32
      %dma_wait3A_169 = arith.constant 0 : i32
      %dma_wait3A_170 = arith.constant 0 : i32
      %dma_wait3A_171 = tpu.memref_slice %arg2[%dma_wait3A_168, %dma_wait3A_169, %dma_wait3A_170] : memref<1024x128x256xf32, #tpu.memory_space<hbm>> -> memref<1x128x256xf32, #tpu.memory_space<hbm>>
      tpu.wait_dma2 semaphore(%arg5 : memref<!tpu.dma_semaphore, #tpu.memory_space<semaphore_mem>>) src(%dma_wait3A_171 : memref<1x128x256xf32, #tpu.memory_space<hbm>>) dst(%arg4 : memref<1x128x256xf32, #tpu.memory_space<vmem>>)
      "tpu.region"() ({
        %run_scoped3A = tpu.sem_alloc : memref<!tpu.dma_semaphore, #tpu.memory_space<semaphore_mem>>
        %dma_start3A_172 = arith.constant 19 : i32
        %dma_start3A_173 = arith.constant 0 : i32
        %dma_start3A_174 = arith.constant 0 : i32
        %dma_start3A_175 = tpu.memref_slice %arg3[%dma_start3A_172, %dma_start3A_173, %dma_start3A_174] : memref<32x128x256xf32, #tpu.memory_space<hbm>> -> memref<1x128x256xf32, #tpu.memory_space<hbm>>
        %dma_start3A_176 = arith.constant 19 : i32
        %dma_start3A_177 = arith.constant 0 : i32
        %dma_start3A_178 = arith.constant 0 : i32
        %dma_start3A_179 = tpu.memref_slice %arg3[%dma_start3A_176, %dma_start3A_177, %dma_start3A_178] : memref<32x128x256xf32, #tpu.memory_space<hbm>> -> memref<1x128x256xf32, #tpu.memory_space<hbm>>
        tpu.enqueue_dma source(%arg4 : memref<1x128x256xf32, #tpu.memory_space<vmem>>) target(%dma_start3A_179 : memref<1x128x256xf32, #tpu.memory_space<hbm>>) target_semaphore(%run_scoped3A : memref<!tpu.dma_semaphore, #tpu.memory_space<semaphore_mem>>)
        %dma_wait3A_180 = arith.constant 19 : i32
        %dma_wait3A_181 = arith.constant 0 : i32
        %dma_wait3A_182 = arith.constant 0 : i32
        %dma_wait3A_183 = tpu.memref_slice %arg3[%dma_wait3A_180, %dma_wait3A_181, %dma_wait3A_182] : memref<32x128x256xf32, #tpu.memory_space<hbm>> -> memref<1x128x256xf32, #tpu.memory_space<hbm>>
        %dma_wait3A_184 = arith.constant 19 : i32
        %dma_wait3A_185 = arith.constant 0 : i32
        %dma_wait3A_186 = arith.constant 0 : i32
        %dma_wait3A_187 = tpu.memref_slice %arg3[%dma_wait3A_184, %dma_wait3A_185, %dma_wait3A_186] : memref<32x128x256xf32, #tpu.memory_space<hbm>> -> memref<1x128x256xf32, #tpu.memory_space<hbm>>
        tpu.wait_dma2 semaphore(%run_scoped3A : memref<!tpu.dma_semaphore, #tpu.memory_space<semaphore_mem>>) src(%arg4 : memref<1x128x256xf32, #tpu.memory_space<vmem>>) dst(%dma_wait3A_187 : memref<1x128x256xf32, #tpu.memory_space<hbm>>)
        tpu.yield
      }) : () -> ()
    } else {
    }
    %eq3A_98 = arith.constant 20 : i32
    %eq3A_99 = arith.cmpi eq, %add3A, %eq3A_98 : i32
    %convert_element_type3A_100 = arith.extui %eq3A_99 : i1 to i32
    %cond3A_101 = arith.constant 0 : i32
    %cond3A_102 = arith.cmpi ne, %convert_element_type3A_100, %cond3A_101 : i32
    scf.if %cond3A_102 {
      %dma_start3A = arith.constant 648 : i32
      %dma_start3A_158 = arith.constant 0 : i32
      %dma_start3A_159 = arith.constant 0 : i32
      %dma_start3A_160 = tpu.memref_slice %arg2[%dma_start3A, %dma_start3A_158, %dma_start3A_159] : memref<1024x128x256xf32, #tpu.memory_space<hbm>> -> memref<1x128x256xf32, #tpu.memory_space<hbm>>
      %dma_start3A_161 = arith.constant 648 : i32
      %dma_start3A_162 = arith.constant 0 : i32
      %dma_start3A_163 = arith.constant 0 : i32
      %dma_start3A_164 = tpu.memref_slice %arg2[%dma_start3A_161, %dma_start3A_162, %dma_start3A_163] : memref<1024x128x256xf32, #tpu.memory_space<hbm>> -> memref<1x128x256xf32, #tpu.memory_space<hbm>>
      tpu.enqueue_dma source(%dma_start3A_164 : memref<1x128x256xf32, #tpu.memory_space<hbm>>) target(%arg4 : memref<1x128x256xf32, #tpu.memory_space<vmem>>) target_semaphore(%arg5 : memref<!tpu.dma_semaphore, #tpu.memory_space<semaphore_mem>>)
      %dma_wait3A = arith.constant 648 : i32
      %dma_wait3A_165 = arith.constant 0 : i32
      %dma_wait3A_166 = arith.constant 0 : i32
      %dma_wait3A_167 = tpu.memref_slice %arg2[%dma_wait3A, %dma_wait3A_165, %dma_wait3A_166] : memref<1024x128x256xf32, #tpu.memory_space<hbm>> -> memref<1x128x256xf32, #tpu.memory_space<hbm>>
      %dma_wait3A_168 = arith.constant 648 : i32
      %dma_wait3A_169 = arith.constant 0 : i32
      %dma_wait3A_170 = arith.constant 0 : i32
      %dma_wait3A_171 = tpu.memref_slice %arg2[%dma_wait3A_168, %dma_wait3A_169, %dma_wait3A_170] : memref<1024x128x256xf32, #tpu.memory_space<hbm>> -> memref<1x128x256xf32, #tpu.memory_space<hbm>>
      tpu.wait_dma2 semaphore(%arg5 : memref<!tpu.dma_semaphore, #tpu.memory_space<semaphore_mem>>) src(%dma_wait3A_171 : memref<1x128x256xf32, #tpu.memory_space<hbm>>) dst(%arg4 : memref<1x128x256xf32, #tpu.memory_space<vmem>>)
      "tpu.region"() ({
        %run_scoped3A = tpu.sem_alloc : memref<!tpu.dma_semaphore, #tpu.memory_space<semaphore_mem>>
        %dma_start3A_172 = arith.constant 20 : i32
        %dma_start3A_173 = arith.constant 0 : i32
        %dma_start3A_174 = arith.constant 0 : i32
        %dma_start3A_175 = tpu.memref_slice %arg3[%dma_start3A_172, %dma_start3A_173, %dma_start3A_174] : memref<32x128x256xf32, #tpu.memory_space<hbm>> -> memref<1x128x256xf32, #tpu.memory_space<hbm>>
        %dma_start3A_176 = arith.constant 20 : i32
        %dma_start3A_177 = arith.constant 0 : i32
        %dma_start3A_178 = arith.constant 0 : i32
        %dma_start3A_179 = tpu.memref_slice %arg3[%dma_start3A_176, %dma_start3A_177, %dma_start3A_178] : memref<32x128x256xf32, #tpu.memory_space<hbm>> -> memref<1x128x256xf32, #tpu.memory_space<hbm>>
        tpu.enqueue_dma source(%arg4 : memref<1x128x256xf32, #tpu.memory_space<vmem>>) target(%dma_start3A_179 : memref<1x128x256xf32, #tpu.memory_space<hbm>>) target_semaphore(%run_scoped3A : memref<!tpu.dma_semaphore, #tpu.memory_space<semaphore_mem>>)
        %dma_wait3A_180 = arith.constant 20 : i32
        %dma_wait3A_181 = arith.constant 0 : i32
        %dma_wait3A_182 = arith.constant 0 : i32
        %dma_wait3A_183 = tpu.memref_slice %arg3[%dma_wait3A_180, %dma_wait3A_181, %dma_wait3A_182] : memref<32x128x256xf32, #tpu.memory_space<hbm>> -> memref<1x128x256xf32, #tpu.memory_space<hbm>>
        %dma_wait3A_184 = arith.constant 20 : i32
        %dma_wait3A_185 = arith.constant 0 : i32
        %dma_wait3A_186 = arith.constant 0 : i32
        %dma_wait3A_187 = tpu.memref_slice %arg3[%dma_wait3A_184, %dma_wait3A_185, %dma_wait3A_186] : memref<32x128x256xf32, #tpu.memory_space<hbm>> -> memref<1x128x256xf32, #tpu.memory_space<hbm>>
        tpu.wait_dma2 semaphore(%run_scoped3A : memref<!tpu.dma_semaphore, #tpu.memory_space<semaphore_mem>>) src(%arg4 : memref<1x128x256xf32, #tpu.memory_space<vmem>>) dst(%dma_wait3A_187 : memref<1x128x256xf32, #tpu.memory_space<hbm>>)
        tpu.yield
      }) : () -> ()
    } else {
    }
    %eq3A_103 = arith.constant 21 : i32
    %eq3A_104 = arith.cmpi eq, %add3A, %eq3A_103 : i32
    %convert_element_type3A_105 = arith.extui %eq3A_104 : i1 to i32
    %cond3A_106 = arith.constant 0 : i32
    %cond3A_107 = arith.cmpi ne, %convert_element_type3A_105, %cond3A_106 : i32
    scf.if %cond3A_107 {
      %dma_start3A = arith.constant 649 : i32
      %dma_start3A_158 = arith.constant 0 : i32
      %dma_start3A_159 = arith.constant 0 : i32
      %dma_start3A_160 = tpu.memref_slice %arg2[%dma_start3A, %dma_start3A_158, %dma_start3A_159] : memref<1024x128x256xf32, #tpu.memory_space<hbm>> -> memref<1x128x256xf32, #tpu.memory_space<hbm>>
      %dma_start3A_161 = arith.constant 649 : i32
      %dma_start3A_162 = arith.constant 0 : i32
      %dma_start3A_163 = arith.constant 0 : i32
      %dma_start3A_164 = tpu.memref_slice %arg2[%dma_start3A_161, %dma_start3A_162, %dma_start3A_163] : memref<1024x128x256xf32, #tpu.memory_space<hbm>> -> memref<1x128x256xf32, #tpu.memory_space<hbm>>
      tpu.enqueue_dma source(%dma_start3A_164 : memref<1x128x256xf32, #tpu.memory_space<hbm>>) target(%arg4 : memref<1x128x256xf32, #tpu.memory_space<vmem>>) target_semaphore(%arg5 : memref<!tpu.dma_semaphore, #tpu.memory_space<semaphore_mem>>)
      %dma_wait3A = arith.constant 649 : i32
      %dma_wait3A_165 = arith.constant 0 : i32
      %dma_wait3A_166 = arith.constant 0 : i32
      %dma_wait3A_167 = tpu.memref_slice %arg2[%dma_wait3A, %dma_wait3A_165, %dma_wait3A_166] : memref<1024x128x256xf32, #tpu.memory_space<hbm>> -> memref<1x128x256xf32, #tpu.memory_space<hbm>>
      %dma_wait3A_168 = arith.constant 649 : i32
      %dma_wait3A_169 = arith.constant 0 : i32
      %dma_wait3A_170 = arith.constant 0 : i32
      %dma_wait3A_171 = tpu.memref_slice %arg2[%dma_wait3A_168, %dma_wait3A_169, %dma_wait3A_170] : memref<1024x128x256xf32, #tpu.memory_space<hbm>> -> memref<1x128x256xf32, #tpu.memory_space<hbm>>
      tpu.wait_dma2 semaphore(%arg5 : memref<!tpu.dma_semaphore, #tpu.memory_space<semaphore_mem>>) src(%dma_wait3A_171 : memref<1x128x256xf32, #tpu.memory_space<hbm>>) dst(%arg4 : memref<1x128x256xf32, #tpu.memory_space<vmem>>)
      "tpu.region"() ({
        %run_scoped3A = tpu.sem_alloc : memref<!tpu.dma_semaphore, #tpu.memory_space<semaphore_mem>>
        %dma_start3A_172 = arith.constant 21 : i32
        %dma_start3A_173 = arith.constant 0 : i32
        %dma_start3A_174 = arith.constant 0 : i32
        %dma_start3A_175 = tpu.memref_slice %arg3[%dma_start3A_172, %dma_start3A_173, %dma_start3A_174] : memref<32x128x256xf32, #tpu.memory_space<hbm>> -> memref<1x128x256xf32, #tpu.memory_space<hbm>>
        %dma_start3A_176 = arith.constant 21 : i32
        %dma_start3A_177 = arith.constant 0 : i32
        %dma_start3A_178 = arith.constant 0 : i32
        %dma_start3A_179 = tpu.memref_slice %arg3[%dma_start3A_176, %dma_start3A_177, %dma_start3A_178] : memref<32x128x256xf32, #tpu.memory_space<hbm>> -> memref<1x128x256xf32, #tpu.memory_space<hbm>>
        tpu.enqueue_dma source(%arg4 : memref<1x128x256xf32, #tpu.memory_space<vmem>>) target(%dma_start3A_179 : memref<1x128x256xf32, #tpu.memory_space<hbm>>) target_semaphore(%run_scoped3A : memref<!tpu.dma_semaphore, #tpu.memory_space<semaphore_mem>>)
        %dma_wait3A_180 = arith.constant 21 : i32
        %dma_wait3A_181 = arith.constant 0 : i32
        %dma_wait3A_182 = arith.constant 0 : i32
        %dma_wait3A_183 = tpu.memref_slice %arg3[%dma_wait3A_180, %dma_wait3A_181, %dma_wait3A_182] : memref<32x128x256xf32, #tpu.memory_space<hbm>> -> memref<1x128x256xf32, #tpu.memory_space<hbm>>
        %dma_wait3A_184 = arith.constant 21 : i32
        %dma_wait3A_185 = arith.constant 0 : i32
        %dma_wait3A_186 = arith.constant 0 : i32
        %dma_wait3A_187 = tpu.memref_slice %arg3[%dma_wait3A_184, %dma_wait3A_185, %dma_wait3A_186] : memref<32x128x256xf32, #tpu.memory_space<hbm>> -> memref<1x128x256xf32, #tpu.memory_space<hbm>>
        tpu.wait_dma2 semaphore(%run_scoped3A : memref<!tpu.dma_semaphore, #tpu.memory_space<semaphore_mem>>) src(%arg4 : memref<1x128x256xf32, #tpu.memory_space<vmem>>) dst(%dma_wait3A_187 : memref<1x128x256xf32, #tpu.memory_space<hbm>>)
        tpu.yield
      }) : () -> ()
    } else {
    }
    %eq3A_108 = arith.constant 22 : i32
    %eq3A_109 = arith.cmpi eq, %add3A, %eq3A_108 : i32
    %convert_element_type3A_110 = arith.extui %eq3A_109 : i1 to i32
    %cond3A_111 = arith.constant 0 : i32
    %cond3A_112 = arith.cmpi ne, %convert_element_type3A_110, %cond3A_111 : i32
    scf.if %cond3A_112 {
      %dma_start3A = arith.constant 756 : i32
      %dma_start3A_158 = arith.constant 0 : i32
      %dma_start3A_159 = arith.constant 0 : i32
      %dma_start3A_160 = tpu.memref_slice %arg2[%dma_start3A, %dma_start3A_158, %dma_start3A_159] : memref<1024x128x256xf32, #tpu.memory_space<hbm>> -> memref<1x128x256xf32, #tpu.memory_space<hbm>>
      %dma_start3A_161 = arith.constant 756 : i32
      %dma_start3A_162 = arith.constant 0 : i32
      %dma_start3A_163 = arith.constant 0 : i32
      %dma_start3A_164 = tpu.memref_slice %arg2[%dma_start3A_161, %dma_start3A_162, %dma_start3A_163] : memref<1024x128x256xf32, #tpu.memory_space<hbm>> -> memref<1x128x256xf32, #tpu.memory_space<hbm>>
      tpu.enqueue_dma source(%dma_start3A_164 : memref<1x128x256xf32, #tpu.memory_space<hbm>>) target(%arg4 : memref<1x128x256xf32, #tpu.memory_space<vmem>>) target_semaphore(%arg5 : memref<!tpu.dma_semaphore, #tpu.memory_space<semaphore_mem>>)
      %dma_wait3A = arith.constant 756 : i32
      %dma_wait3A_165 = arith.constant 0 : i32
      %dma_wait3A_166 = arith.constant 0 : i32
      %dma_wait3A_167 = tpu.memref_slice %arg2[%dma_wait3A, %dma_wait3A_165, %dma_wait3A_166] : memref<1024x128x256xf32, #tpu.memory_space<hbm>> -> memref<1x128x256xf32, #tpu.memory_space<hbm>>
      %dma_wait3A_168 = arith.constant 756 : i32
      %dma_wait3A_169 = arith.constant 0 : i32
      %dma_wait3A_170 = arith.constant 0 : i32
      %dma_wait3A_171 = tpu.memref_slice %arg2[%dma_wait3A_168, %dma_wait3A_169, %dma_wait3A_170] : memref<1024x128x256xf32, #tpu.memory_space<hbm>> -> memref<1x128x256xf32, #tpu.memory_space<hbm>>
      tpu.wait_dma2 semaphore(%arg5 : memref<!tpu.dma_semaphore, #tpu.memory_space<semaphore_mem>>) src(%dma_wait3A_171 : memref<1x128x256xf32, #tpu.memory_space<hbm>>) dst(%arg4 : memref<1x128x256xf32, #tpu.memory_space<vmem>>)
      "tpu.region"() ({
        %run_scoped3A = tpu.sem_alloc : memref<!tpu.dma_semaphore, #tpu.memory_space<semaphore_mem>>
        %dma_start3A_172 = arith.constant 22 : i32
        %dma_start3A_173 = arith.constant 0 : i32
        %dma_start3A_174 = arith.constant 0 : i32
        %dma_start3A_175 = tpu.memref_slice %arg3[%dma_start3A_172, %dma_start3A_173, %dma_start3A_174] : memref<32x128x256xf32, #tpu.memory_space<hbm>> -> memref<1x128x256xf32, #tpu.memory_space<hbm>>
        %dma_start3A_176 = arith.constant 22 : i32
        %dma_start3A_177 = arith.constant 0 : i32
        %dma_start3A_178 = arith.constant 0 : i32
        %dma_start3A_179 = tpu.memref_slice %arg3[%dma_start3A_176, %dma_start3A_177, %dma_start3A_178] : memref<32x128x256xf32, #tpu.memory_space<hbm>> -> memref<1x128x256xf32, #tpu.memory_space<hbm>>
        tpu.enqueue_dma source(%arg4 : memref<1x128x256xf32, #tpu.memory_space<vmem>>) target(%dma_start3A_179 : memref<1x128x256xf32, #tpu.memory_space<hbm>>) target_semaphore(%run_scoped3A : memref<!tpu.dma_semaphore, #tpu.memory_space<semaphore_mem>>)
        %dma_wait3A_180 = arith.constant 22 : i32
        %dma_wait3A_181 = arith.constant 0 : i32
        %dma_wait3A_182 = arith.constant 0 : i32
        %dma_wait3A_183 = tpu.memref_slice %arg3[%dma_wait3A_180, %dma_wait3A_181, %dma_wait3A_182] : memref<32x128x256xf32, #tpu.memory_space<hbm>> -> memref<1x128x256xf32, #tpu.memory_space<hbm>>
        %dma_wait3A_184 = arith.constant 22 : i32
        %dma_wait3A_185 = arith.constant 0 : i32
        %dma_wait3A_186 = arith.constant 0 : i32
        %dma_wait3A_187 = tpu.memref_slice %arg3[%dma_wait3A_184, %dma_wait3A_185, %dma_wait3A_186] : memref<32x128x256xf32, #tpu.memory_space<hbm>> -> memref<1x128x256xf32, #tpu.memory_space<hbm>>
        tpu.wait_dma2 semaphore(%run_scoped3A : memref<!tpu.dma_semaphore, #tpu.memory_space<semaphore_mem>>) src(%arg4 : memref<1x128x256xf32, #tpu.memory_space<vmem>>) dst(%dma_wait3A_187 : memref<1x128x256xf32, #tpu.memory_space<hbm>>)
        tpu.yield
      }) : () -> ()
    } else {
    }
    %eq3A_113 = arith.constant 23 : i32
    %eq3A_114 = arith.cmpi eq, %add3A, %eq3A_113 : i32
    %convert_element_type3A_115 = arith.extui %eq3A_114 : i1 to i32
    %cond3A_116 = arith.constant 0 : i32
    %cond3A_117 = arith.cmpi ne, %convert_element_type3A_115, %cond3A_116 : i32
    scf.if %cond3A_117 {
      %dma_start3A = arith.constant 757 : i32
      %dma_start3A_158 = arith.constant 0 : i32
      %dma_start3A_159 = arith.constant 0 : i32
      %dma_start3A_160 = tpu.memref_slice %arg2[%dma_start3A, %dma_start3A_158, %dma_start3A_159] : memref<1024x128x256xf32, #tpu.memory_space<hbm>> -> memref<1x128x256xf32, #tpu.memory_space<hbm>>
      %dma_start3A_161 = arith.constant 757 : i32
      %dma_start3A_162 = arith.constant 0 : i32
      %dma_start3A_163 = arith.constant 0 : i32
      %dma_start3A_164 = tpu.memref_slice %arg2[%dma_start3A_161, %dma_start3A_162, %dma_start3A_163] : memref<1024x128x256xf32, #tpu.memory_space<hbm>> -> memref<1x128x256xf32, #tpu.memory_space<hbm>>
      tpu.enqueue_dma source(%dma_start3A_164 : memref<1x128x256xf32, #tpu.memory_space<hbm>>) target(%arg4 : memref<1x128x256xf32, #tpu.memory_space<vmem>>) target_semaphore(%arg5 : memref<!tpu.dma_semaphore, #tpu.memory_space<semaphore_mem>>)
      %dma_wait3A = arith.constant 757 : i32
      %dma_wait3A_165 = arith.constant 0 : i32
      %dma_wait3A_166 = arith.constant 0 : i32
      %dma_wait3A_167 = tpu.memref_slice %arg2[%dma_wait3A, %dma_wait3A_165, %dma_wait3A_166] : memref<1024x128x256xf32, #tpu.memory_space<hbm>> -> memref<1x128x256xf32, #tpu.memory_space<hbm>>
      %dma_wait3A_168 = arith.constant 757 : i32
      %dma_wait3A_169 = arith.constant 0 : i32
      %dma_wait3A_170 = arith.constant 0 : i32
      %dma_wait3A_171 = tpu.memref_slice %arg2[%dma_wait3A_168, %dma_wait3A_169, %dma_wait3A_170] : memref<1024x128x256xf32, #tpu.memory_space<hbm>> -> memref<1x128x256xf32, #tpu.memory_space<hbm>>
      tpu.wait_dma2 semaphore(%arg5 : memref<!tpu.dma_semaphore, #tpu.memory_space<semaphore_mem>>) src(%dma_wait3A_171 : memref<1x128x256xf32, #tpu.memory_space<hbm>>) dst(%arg4 : memref<1x128x256xf32, #tpu.memory_space<vmem>>)
      "tpu.region"() ({
        %run_scoped3A = tpu.sem_alloc : memref<!tpu.dma_semaphore, #tpu.memory_space<semaphore_mem>>
        %dma_start3A_172 = arith.constant 23 : i32
        %dma_start3A_173 = arith.constant 0 : i32
        %dma_start3A_174 = arith.constant 0 : i32
        %dma_start3A_175 = tpu.memref_slice %arg3[%dma_start3A_172, %dma_start3A_173, %dma_start3A_174] : memref<32x128x256xf32, #tpu.memory_space<hbm>> -> memref<1x128x256xf32, #tpu.memory_space<hbm>>
        %dma_start3A_176 = arith.constant 23 : i32
        %dma_start3A_177 = arith.constant 0 : i32
        %dma_start3A_178 = arith.constant 0 : i32
        %dma_start3A_179 = tpu.memref_slice %arg3[%dma_start3A_176, %dma_start3A_177, %dma_start3A_178] : memref<32x128x256xf32, #tpu.memory_space<hbm>> -> memref<1x128x256xf32, #tpu.memory_space<hbm>>
        tpu.enqueue_dma source(%arg4 : memref<1x128x256xf32, #tpu.memory_space<vmem>>) target(%dma_start3A_179 : memref<1x128x256xf32, #tpu.memory_space<hbm>>) target_semaphore(%run_scoped3A : memref<!tpu.dma_semaphore, #tpu.memory_space<semaphore_mem>>)
        %dma_wait3A_180 = arith.constant 23 : i32
        %dma_wait3A_181 = arith.constant 0 : i32
        %dma_wait3A_182 = arith.constant 0 : i32
        %dma_wait3A_183 = tpu.memref_slice %arg3[%dma_wait3A_180, %dma_wait3A_181, %dma_wait3A_182] : memref<32x128x256xf32, #tpu.memory_space<hbm>> -> memref<1x128x256xf32, #tpu.memory_space<hbm>>
        %dma_wait3A_184 = arith.constant 23 : i32
        %dma_wait3A_185 = arith.constant 0 : i32
        %dma_wait3A_186 = arith.constant 0 : i32
        %dma_wait3A_187 = tpu.memref_slice %arg3[%dma_wait3A_184, %dma_wait3A_185, %dma_wait3A_186] : memref<32x128x256xf32, #tpu.memory_space<hbm>> -> memref<1x128x256xf32, #tpu.memory_space<hbm>>
        tpu.wait_dma2 semaphore(%run_scoped3A : memref<!tpu.dma_semaphore, #tpu.memory_space<semaphore_mem>>) src(%arg4 : memref<1x128x256xf32, #tpu.memory_space<vmem>>) dst(%dma_wait3A_187 : memref<1x128x256xf32, #tpu.memory_space<hbm>>)
        tpu.yield
      }) : () -> ()
    } else {
    }
    %eq3A_118 = arith.constant 24 : i32
    %eq3A_119 = arith.cmpi eq, %add3A, %eq3A_118 : i32
    %convert_element_type3A_120 = arith.extui %eq3A_119 : i1 to i32
    %cond3A_121 = arith.constant 0 : i32
    %cond3A_122 = arith.cmpi ne, %convert_element_type3A_120, %cond3A_121 : i32
    scf.if %cond3A_122 {
      %dma_start3A = arith.constant 818 : i32
      %dma_start3A_158 = arith.constant 0 : i32
      %dma_start3A_159 = arith.constant 0 : i32
      %dma_start3A_160 = tpu.memref_slice %arg2[%dma_start3A, %dma_start3A_158, %dma_start3A_159] : memref<1024x128x256xf32, #tpu.memory_space<hbm>> -> memref<1x128x256xf32, #tpu.memory_space<hbm>>
      %dma_start3A_161 = arith.constant 818 : i32
      %dma_start3A_162 = arith.constant 0 : i32
      %dma_start3A_163 = arith.constant 0 : i32
      %dma_start3A_164 = tpu.memref_slice %arg2[%dma_start3A_161, %dma_start3A_162, %dma_start3A_163] : memref<1024x128x256xf32, #tpu.memory_space<hbm>> -> memref<1x128x256xf32, #tpu.memory_space<hbm>>
      tpu.enqueue_dma source(%dma_start3A_164 : memref<1x128x256xf32, #tpu.memory_space<hbm>>) target(%arg4 : memref<1x128x256xf32, #tpu.memory_space<vmem>>) target_semaphore(%arg5 : memref<!tpu.dma_semaphore, #tpu.memory_space<semaphore_mem>>)
      %dma_wait3A = arith.constant 818 : i32
      %dma_wait3A_165 = arith.constant 0 : i32
      %dma_wait3A_166 = arith.constant 0 : i32
      %dma_wait3A_167 = tpu.memref_slice %arg2[%dma_wait3A, %dma_wait3A_165, %dma_wait3A_166] : memref<1024x128x256xf32, #tpu.memory_space<hbm>> -> memref<1x128x256xf32, #tpu.memory_space<hbm>>
      %dma_wait3A_168 = arith.constant 818 : i32
      %dma_wait3A_169 = arith.constant 0 : i32
      %dma_wait3A_170 = arith.constant 0 : i32
      %dma_wait3A_171 = tpu.memref_slice %arg2[%dma_wait3A_168, %dma_wait3A_169, %dma_wait3A_170] : memref<1024x128x256xf32, #tpu.memory_space<hbm>> -> memref<1x128x256xf32, #tpu.memory_space<hbm>>
      tpu.wait_dma2 semaphore(%arg5 : memref<!tpu.dma_semaphore, #tpu.memory_space<semaphore_mem>>) src(%dma_wait3A_171 : memref<1x128x256xf32, #tpu.memory_space<hbm>>) dst(%arg4 : memref<1x128x256xf32, #tpu.memory_space<vmem>>)
      "tpu.region"() ({
        %run_scoped3A = tpu.sem_alloc : memref<!tpu.dma_semaphore, #tpu.memory_space<semaphore_mem>>
        %dma_start3A_172 = arith.constant 24 : i32
        %dma_start3A_173 = arith.constant 0 : i32
        %dma_start3A_174 = arith.constant 0 : i32
        %dma_start3A_175 = tpu.memref_slice %arg3[%dma_start3A_172, %dma_start3A_173, %dma_start3A_174] : memref<32x128x256xf32, #tpu.memory_space<hbm>> -> memref<1x128x256xf32, #tpu.memory_space<hbm>>
        %dma_start3A_176 = arith.constant 24 : i32
        %dma_start3A_177 = arith.constant 0 : i32
        %dma_start3A_178 = arith.constant 0 : i32
        %dma_start3A_179 = tpu.memref_slice %arg3[%dma_start3A_176, %dma_start3A_177, %dma_start3A_178] : memref<32x128x256xf32, #tpu.memory_space<hbm>> -> memref<1x128x256xf32, #tpu.memory_space<hbm>>
        tpu.enqueue_dma source(%arg4 : memref<1x128x256xf32, #tpu.memory_space<vmem>>) target(%dma_start3A_179 : memref<1x128x256xf32, #tpu.memory_space<hbm>>) target_semaphore(%run_scoped3A : memref<!tpu.dma_semaphore, #tpu.memory_space<semaphore_mem>>)
        %dma_wait3A_180 = arith.constant 24 : i32
        %dma_wait3A_181 = arith.constant 0 : i32
        %dma_wait3A_182 = arith.constant 0 : i32
        %dma_wait3A_183 = tpu.memref_slice %arg3[%dma_wait3A_180, %dma_wait3A_181, %dma_wait3A_182] : memref<32x128x256xf32, #tpu.memory_space<hbm>> -> memref<1x128x256xf32, #tpu.memory_space<hbm>>
        %dma_wait3A_184 = arith.constant 24 : i32
        %dma_wait3A_185 = arith.constant 0 : i32
        %dma_wait3A_186 = arith.constant 0 : i32
        %dma_wait3A_187 = tpu.memref_slice %arg3[%dma_wait3A_184, %dma_wait3A_185, %dma_wait3A_186] : memref<32x128x256xf32, #tpu.memory_space<hbm>> -> memref<1x128x256xf32, #tpu.memory_space<hbm>>
        tpu.wait_dma2 semaphore(%run_scoped3A : memref<!tpu.dma_semaphore, #tpu.memory_space<semaphore_mem>>) src(%arg4 : memref<1x128x256xf32, #tpu.memory_space<vmem>>) dst(%dma_wait3A_187 : memref<1x128x256xf32, #tpu.memory_space<hbm>>)
        tpu.yield
      }) : () -> ()
    } else {
    }
    %eq3A_123 = arith.constant 25 : i32
    %eq3A_124 = arith.cmpi eq, %add3A, %eq3A_123 : i32
    %convert_element_type3A_125 = arith.extui %eq3A_124 : i1 to i32
    %cond3A_126 = arith.constant 0 : i32
    %cond3A_127 = arith.cmpi ne, %convert_element_type3A_125, %cond3A_126 : i32
    scf.if %cond3A_127 {
      %dma_start3A = arith.constant 819 : i32
      %dma_start3A_158 = arith.constant 0 : i32
      %dma_start3A_159 = arith.constant 0 : i32
      %dma_start3A_160 = tpu.memref_slice %arg2[%dma_start3A, %dma_start3A_158, %dma_start3A_159] : memref<1024x128x256xf32, #tpu.memory_space<hbm>> -> memref<1x128x256xf32, #tpu.memory_space<hbm>>
      %dma_start3A_161 = arith.constant 819 : i32
      %dma_start3A_162 = arith.constant 0 : i32
      %dma_start3A_163 = arith.constant 0 : i32
      %dma_start3A_164 = tpu.memref_slice %arg2[%dma_start3A_161, %dma_start3A_162, %dma_start3A_163] : memref<1024x128x256xf32, #tpu.memory_space<hbm>> -> memref<1x128x256xf32, #tpu.memory_space<hbm>>
      tpu.enqueue_dma source(%dma_start3A_164 : memref<1x128x256xf32, #tpu.memory_space<hbm>>) target(%arg4 : memref<1x128x256xf32, #tpu.memory_space<vmem>>) target_semaphore(%arg5 : memref<!tpu.dma_semaphore, #tpu.memory_space<semaphore_mem>>)
      %dma_wait3A = arith.constant 819 : i32
      %dma_wait3A_165 = arith.constant 0 : i32
      %dma_wait3A_166 = arith.constant 0 : i32
      %dma_wait3A_167 = tpu.memref_slice %arg2[%dma_wait3A, %dma_wait3A_165, %dma_wait3A_166] : memref<1024x128x256xf32, #tpu.memory_space<hbm>> -> memref<1x128x256xf32, #tpu.memory_space<hbm>>
      %dma_wait3A_168 = arith.constant 819 : i32
      %dma_wait3A_169 = arith.constant 0 : i32
      %dma_wait3A_170 = arith.constant 0 : i32
      %dma_wait3A_171 = tpu.memref_slice %arg2[%dma_wait3A_168, %dma_wait3A_169, %dma_wait3A_170] : memref<1024x128x256xf32, #tpu.memory_space<hbm>> -> memref<1x128x256xf32, #tpu.memory_space<hbm>>
      tpu.wait_dma2 semaphore(%arg5 : memref<!tpu.dma_semaphore, #tpu.memory_space<semaphore_mem>>) src(%dma_wait3A_171 : memref<1x128x256xf32, #tpu.memory_space<hbm>>) dst(%arg4 : memref<1x128x256xf32, #tpu.memory_space<vmem>>)
      "tpu.region"() ({
        %run_scoped3A = tpu.sem_alloc : memref<!tpu.dma_semaphore, #tpu.memory_space<semaphore_mem>>
        %dma_start3A_172 = arith.constant 25 : i32
        %dma_start3A_173 = arith.constant 0 : i32
        %dma_start3A_174 = arith.constant 0 : i32
        %dma_start3A_175 = tpu.memref_slice %arg3[%dma_start3A_172, %dma_start3A_173, %dma_start3A_174] : memref<32x128x256xf32, #tpu.memory_space<hbm>> -> memref<1x128x256xf32, #tpu.memory_space<hbm>>
        %dma_start3A_176 = arith.constant 25 : i32
        %dma_start3A_177 = arith.constant 0 : i32
        %dma_start3A_178 = arith.constant 0 : i32
        %dma_start3A_179 = tpu.memref_slice %arg3[%dma_start3A_176, %dma_start3A_177, %dma_start3A_178] : memref<32x128x256xf32, #tpu.memory_space<hbm>> -> memref<1x128x256xf32, #tpu.memory_space<hbm>>
        tpu.enqueue_dma source(%arg4 : memref<1x128x256xf32, #tpu.memory_space<vmem>>) target(%dma_start3A_179 : memref<1x128x256xf32, #tpu.memory_space<hbm>>) target_semaphore(%run_scoped3A : memref<!tpu.dma_semaphore, #tpu.memory_space<semaphore_mem>>)
        %dma_wait3A_180 = arith.constant 25 : i32
        %dma_wait3A_181 = arith.constant 0 : i32
        %dma_wait3A_182 = arith.constant 0 : i32
        %dma_wait3A_183 = tpu.memref_slice %arg3[%dma_wait3A_180, %dma_wait3A_181, %dma_wait3A_182] : memref<32x128x256xf32, #tpu.memory_space<hbm>> -> memref<1x128x256xf32, #tpu.memory_space<hbm>>
        %dma_wait3A_184 = arith.constant 25 : i32
        %dma_wait3A_185 = arith.constant 0 : i32
        %dma_wait3A_186 = arith.constant 0 : i32
        %dma_wait3A_187 = tpu.memref_slice %arg3[%dma_wait3A_184, %dma_wait3A_185, %dma_wait3A_186] : memref<32x128x256xf32, #tpu.memory_space<hbm>> -> memref<1x128x256xf32, #tpu.memory_space<hbm>>
        tpu.wait_dma2 semaphore(%run_scoped3A : memref<!tpu.dma_semaphore, #tpu.memory_space<semaphore_mem>>) src(%arg4 : memref<1x128x256xf32, #tpu.memory_space<vmem>>) dst(%dma_wait3A_187 : memref<1x128x256xf32, #tpu.memory_space<hbm>>)
        tpu.yield
      }) : () -> ()
    } else {
    }
    %eq3A_128 = arith.constant 26 : i32
    %eq3A_129 = arith.cmpi eq, %add3A, %eq3A_128 : i32
    %convert_element_type3A_130 = arith.extui %eq3A_129 : i1 to i32
    %cond3A_131 = arith.constant 0 : i32
    %cond3A_132 = arith.cmpi ne, %convert_element_type3A_130, %cond3A_131 : i32
    scf.if %cond3A_132 {
      %dma_start3A = arith.constant 838 : i32
      %dma_start3A_158 = arith.constant 0 : i32
      %dma_start3A_159 = arith.constant 0 : i32
      %dma_start3A_160 = tpu.memref_slice %arg2[%dma_start3A, %dma_start3A_158, %dma_start3A_159] : memref<1024x128x256xf32, #tpu.memory_space<hbm>> -> memref<1x128x256xf32, #tpu.memory_space<hbm>>
      %dma_start3A_161 = arith.constant 838 : i32
      %dma_start3A_162 = arith.constant 0 : i32
      %dma_start3A_163 = arith.constant 0 : i32
      %dma_start3A_164 = tpu.memref_slice %arg2[%dma_start3A_161, %dma_start3A_162, %dma_start3A_163] : memref<1024x128x256xf32, #tpu.memory_space<hbm>> -> memref<1x128x256xf32, #tpu.memory_space<hbm>>
      tpu.enqueue_dma source(%dma_start3A_164 : memref<1x128x256xf32, #tpu.memory_space<hbm>>) target(%arg4 : memref<1x128x256xf32, #tpu.memory_space<vmem>>) target_semaphore(%arg5 : memref<!tpu.dma_semaphore, #tpu.memory_space<semaphore_mem>>)
      %dma_wait3A = arith.constant 838 : i32
      %dma_wait3A_165 = arith.constant 0 : i32
      %dma_wait3A_166 = arith.constant 0 : i32
      %dma_wait3A_167 = tpu.memref_slice %arg2[%dma_wait3A, %dma_wait3A_165, %dma_wait3A_166] : memref<1024x128x256xf32, #tpu.memory_space<hbm>> -> memref<1x128x256xf32, #tpu.memory_space<hbm>>
      %dma_wait3A_168 = arith.constant 838 : i32
      %dma_wait3A_169 = arith.constant 0 : i32
      %dma_wait3A_170 = arith.constant 0 : i32
      %dma_wait3A_171 = tpu.memref_slice %arg2[%dma_wait3A_168, %dma_wait3A_169, %dma_wait3A_170] : memref<1024x128x256xf32, #tpu.memory_space<hbm>> -> memref<1x128x256xf32, #tpu.memory_space<hbm>>
      tpu.wait_dma2 semaphore(%arg5 : memref<!tpu.dma_semaphore, #tpu.memory_space<semaphore_mem>>) src(%dma_wait3A_171 : memref<1x128x256xf32, #tpu.memory_space<hbm>>) dst(%arg4 : memref<1x128x256xf32, #tpu.memory_space<vmem>>)
      "tpu.region"() ({
        %run_scoped3A = tpu.sem_alloc : memref<!tpu.dma_semaphore, #tpu.memory_space<semaphore_mem>>
        %dma_start3A_172 = arith.constant 26 : i32
        %dma_start3A_173 = arith.constant 0 : i32
        %dma_start3A_174 = arith.constant 0 : i32
        %dma_start3A_175 = tpu.memref_slice %arg3[%dma_start3A_172, %dma_start3A_173, %dma_start3A_174] : memref<32x128x256xf32, #tpu.memory_space<hbm>> -> memref<1x128x256xf32, #tpu.memory_space<hbm>>
        %dma_start3A_176 = arith.constant 26 : i32
        %dma_start3A_177 = arith.constant 0 : i32
        %dma_start3A_178 = arith.constant 0 : i32
        %dma_start3A_179 = tpu.memref_slice %arg3[%dma_start3A_176, %dma_start3A_177, %dma_start3A_178] : memref<32x128x256xf32, #tpu.memory_space<hbm>> -> memref<1x128x256xf32, #tpu.memory_space<hbm>>
        tpu.enqueue_dma source(%arg4 : memref<1x128x256xf32, #tpu.memory_space<vmem>>) target(%dma_start3A_179 : memref<1x128x256xf32, #tpu.memory_space<hbm>>) target_semaphore(%run_scoped3A : memref<!tpu.dma_semaphore, #tpu.memory_space<semaphore_mem>>)
        %dma_wait3A_180 = arith.constant 26 : i32
        %dma_wait3A_181 = arith.constant 0 : i32
        %dma_wait3A_182 = arith.constant 0 : i32
        %dma_wait3A_183 = tpu.memref_slice %arg3[%dma_wait3A_180, %dma_wait3A_181, %dma_wait3A_182] : memref<32x128x256xf32, #tpu.memory_space<hbm>> -> memref<1x128x256xf32, #tpu.memory_space<hbm>>
        %dma_wait3A_184 = arith.constant 26 : i32
        %dma_wait3A_185 = arith.constant 0 : i32
        %dma_wait3A_186 = arith.constant 0 : i32
        %dma_wait3A_187 = tpu.memref_slice %arg3[%dma_wait3A_184, %dma_wait3A_185, %dma_wait3A_186] : memref<32x128x256xf32, #tpu.memory_space<hbm>> -> memref<1x128x256xf32, #tpu.memory_space<hbm>>
        tpu.wait_dma2 semaphore(%run_scoped3A : memref<!tpu.dma_semaphore, #tpu.memory_space<semaphore_mem>>) src(%arg4 : memref<1x128x256xf32, #tpu.memory_space<vmem>>) dst(%dma_wait3A_187 : memref<1x128x256xf32, #tpu.memory_space<hbm>>)
        tpu.yield
      }) : () -> ()
    } else {
    }
    %eq3A_133 = arith.constant 27 : i32
    %eq3A_134 = arith.cmpi eq, %add3A, %eq3A_133 : i32
    %convert_element_type3A_135 = arith.extui %eq3A_134 : i1 to i32
    %cond3A_136 = arith.constant 0 : i32
    %cond3A_137 = arith.cmpi ne, %convert_element_type3A_135, %cond3A_136 : i32
    scf.if %cond3A_137 {
      %dma_start3A = arith.constant 839 : i32
      %dma_start3A_158 = arith.constant 0 : i32
      %dma_start3A_159 = arith.constant 0 : i32
      %dma_start3A_160 = tpu.memref_slice %arg2[%dma_start3A, %dma_start3A_158, %dma_start3A_159] : memref<1024x128x256xf32, #tpu.memory_space<hbm>> -> memref<1x128x256xf32, #tpu.memory_space<hbm>>
      %dma_start3A_161 = arith.constant 839 : i32
      %dma_start3A_162 = arith.constant 0 : i32
      %dma_start3A_163 = arith.constant 0 : i32
      %dma_start3A_164 = tpu.memref_slice %arg2[%dma_start3A_161, %dma_start3A_162, %dma_start3A_163] : memref<1024x128x256xf32, #tpu.memory_space<hbm>> -> memref<1x128x256xf32, #tpu.memory_space<hbm>>
      tpu.enqueue_dma source(%dma_start3A_164 : memref<1x128x256xf32, #tpu.memory_space<hbm>>) target(%arg4 : memref<1x128x256xf32, #tpu.memory_space<vmem>>) target_semaphore(%arg5 : memref<!tpu.dma_semaphore, #tpu.memory_space<semaphore_mem>>)
      %dma_wait3A = arith.constant 839 : i32
      %dma_wait3A_165 = arith.constant 0 : i32
      %dma_wait3A_166 = arith.constant 0 : i32
      %dma_wait3A_167 = tpu.memref_slice %arg2[%dma_wait3A, %dma_wait3A_165, %dma_wait3A_166] : memref<1024x128x256xf32, #tpu.memory_space<hbm>> -> memref<1x128x256xf32, #tpu.memory_space<hbm>>
      %dma_wait3A_168 = arith.constant 839 : i32
      %dma_wait3A_169 = arith.constant 0 : i32
      %dma_wait3A_170 = arith.constant 0 : i32
      %dma_wait3A_171 = tpu.memref_slice %arg2[%dma_wait3A_168, %dma_wait3A_169, %dma_wait3A_170] : memref<1024x128x256xf32, #tpu.memory_space<hbm>> -> memref<1x128x256xf32, #tpu.memory_space<hbm>>
      tpu.wait_dma2 semaphore(%arg5 : memref<!tpu.dma_semaphore, #tpu.memory_space<semaphore_mem>>) src(%dma_wait3A_171 : memref<1x128x256xf32, #tpu.memory_space<hbm>>) dst(%arg4 : memref<1x128x256xf32, #tpu.memory_space<vmem>>)
      "tpu.region"() ({
        %run_scoped3A = tpu.sem_alloc : memref<!tpu.dma_semaphore, #tpu.memory_space<semaphore_mem>>
        %dma_start3A_172 = arith.constant 27 : i32
        %dma_start3A_173 = arith.constant 0 : i32
        %dma_start3A_174 = arith.constant 0 : i32
        %dma_start3A_175 = tpu.memref_slice %arg3[%dma_start3A_172, %dma_start3A_173, %dma_start3A_174] : memref<32x128x256xf32, #tpu.memory_space<hbm>> -> memref<1x128x256xf32, #tpu.memory_space<hbm>>
        %dma_start3A_176 = arith.constant 27 : i32
        %dma_start3A_177 = arith.constant 0 : i32
        %dma_start3A_178 = arith.constant 0 : i32
        %dma_start3A_179 = tpu.memref_slice %arg3[%dma_start3A_176, %dma_start3A_177, %dma_start3A_178] : memref<32x128x256xf32, #tpu.memory_space<hbm>> -> memref<1x128x256xf32, #tpu.memory_space<hbm>>
        tpu.enqueue_dma source(%arg4 : memref<1x128x256xf32, #tpu.memory_space<vmem>>) target(%dma_start3A_179 : memref<1x128x256xf32, #tpu.memory_space<hbm>>) target_semaphore(%run_scoped3A : memref<!tpu.dma_semaphore, #tpu.memory_space<semaphore_mem>>)
        %dma_wait3A_180 = arith.constant 27 : i32
        %dma_wait3A_181 = arith.constant 0 : i32
        %dma_wait3A_182 = arith.constant 0 : i32
        %dma_wait3A_183 = tpu.memref_slice %arg3[%dma_wait3A_180, %dma_wait3A_181, %dma_wait3A_182] : memref<32x128x256xf32, #tpu.memory_space<hbm>> -> memref<1x128x256xf32, #tpu.memory_space<hbm>>
        %dma_wait3A_184 = arith.constant 27 : i32
        %dma_wait3A_185 = arith.constant 0 : i32
        %dma_wait3A_186 = arith.constant 0 : i32
        %dma_wait3A_187 = tpu.memref_slice %arg3[%dma_wait3A_184, %dma_wait3A_185, %dma_wait3A_186] : memref<32x128x256xf32, #tpu.memory_space<hbm>> -> memref<1x128x256xf32, #tpu.memory_space<hbm>>
        tpu.wait_dma2 semaphore(%run_scoped3A : memref<!tpu.dma_semaphore, #tpu.memory_space<semaphore_mem>>) src(%arg4 : memref<1x128x256xf32, #tpu.memory_space<vmem>>) dst(%dma_wait3A_187 : memref<1x128x256xf32, #tpu.memory_space<hbm>>)
        tpu.yield
      }) : () -> ()
    } else {
    }
    %eq3A_138 = arith.constant 28 : i32
    %eq3A_139 = arith.cmpi eq, %add3A, %eq3A_138 : i32
    %convert_element_type3A_140 = arith.extui %eq3A_139 : i1 to i32
    %cond3A_141 = arith.constant 0 : i32
    %cond3A_142 = arith.cmpi ne, %convert_element_type3A_140, %cond3A_141 : i32
    scf.if %cond3A_142 {
      %dma_start3A = arith.constant 920 : i32
      %dma_start3A_158 = arith.constant 0 : i32
      %dma_start3A_159 = arith.constant 0 : i32
      %dma_start3A_160 = tpu.memref_slice %arg2[%dma_start3A, %dma_start3A_158, %dma_start3A_159] : memref<1024x128x256xf32, #tpu.memory_space<hbm>> -> memref<1x128x256xf32, #tpu.memory_space<hbm>>
      %dma_start3A_161 = arith.constant 920 : i32
      %dma_start3A_162 = arith.constant 0 : i32
      %dma_start3A_163 = arith.constant 0 : i32
      %dma_start3A_164 = tpu.memref_slice %arg2[%dma_start3A_161, %dma_start3A_162, %dma_start3A_163] : memref<1024x128x256xf32, #tpu.memory_space<hbm>> -> memref<1x128x256xf32, #tpu.memory_space<hbm>>
      tpu.enqueue_dma source(%dma_start3A_164 : memref<1x128x256xf32, #tpu.memory_space<hbm>>) target(%arg4 : memref<1x128x256xf32, #tpu.memory_space<vmem>>) target_semaphore(%arg5 : memref<!tpu.dma_semaphore, #tpu.memory_space<semaphore_mem>>)
      %dma_wait3A = arith.constant 920 : i32
      %dma_wait3A_165 = arith.constant 0 : i32
      %dma_wait3A_166 = arith.constant 0 : i32
      %dma_wait3A_167 = tpu.memref_slice %arg2[%dma_wait3A, %dma_wait3A_165, %dma_wait3A_166] : memref<1024x128x256xf32, #tpu.memory_space<hbm>> -> memref<1x128x256xf32, #tpu.memory_space<hbm>>
      %dma_wait3A_168 = arith.constant 920 : i32
      %dma_wait3A_169 = arith.constant 0 : i32
      %dma_wait3A_170 = arith.constant 0 : i32
      %dma_wait3A_171 = tpu.memref_slice %arg2[%dma_wait3A_168, %dma_wait3A_169, %dma_wait3A_170] : memref<1024x128x256xf32, #tpu.memory_space<hbm>> -> memref<1x128x256xf32, #tpu.memory_space<hbm>>
      tpu.wait_dma2 semaphore(%arg5 : memref<!tpu.dma_semaphore, #tpu.memory_space<semaphore_mem>>) src(%dma_wait3A_171 : memref<1x128x256xf32, #tpu.memory_space<hbm>>) dst(%arg4 : memref<1x128x256xf32, #tpu.memory_space<vmem>>)
      "tpu.region"() ({
        %run_scoped3A = tpu.sem_alloc : memref<!tpu.dma_semaphore, #tpu.memory_space<semaphore_mem>>
        %dma_start3A_172 = arith.constant 28 : i32
        %dma_start3A_173 = arith.constant 0 : i32
        %dma_start3A_174 = arith.constant 0 : i32
        %dma_start3A_175 = tpu.memref_slice %arg3[%dma_start3A_172, %dma_start3A_173, %dma_start3A_174] : memref<32x128x256xf32, #tpu.memory_space<hbm>> -> memref<1x128x256xf32, #tpu.memory_space<hbm>>
        %dma_start3A_176 = arith.constant 28 : i32
        %dma_start3A_177 = arith.constant 0 : i32
        %dma_start3A_178 = arith.constant 0 : i32
        %dma_start3A_179 = tpu.memref_slice %arg3[%dma_start3A_176, %dma_start3A_177, %dma_start3A_178] : memref<32x128x256xf32, #tpu.memory_space<hbm>> -> memref<1x128x256xf32, #tpu.memory_space<hbm>>
        tpu.enqueue_dma source(%arg4 : memref<1x128x256xf32, #tpu.memory_space<vmem>>) target(%dma_start3A_179 : memref<1x128x256xf32, #tpu.memory_space<hbm>>) target_semaphore(%run_scoped3A : memref<!tpu.dma_semaphore, #tpu.memory_space<semaphore_mem>>)
        %dma_wait3A_180 = arith.constant 28 : i32
        %dma_wait3A_181 = arith.constant 0 : i32
        %dma_wait3A_182 = arith.constant 0 : i32
        %dma_wait3A_183 = tpu.memref_slice %arg3[%dma_wait3A_180, %dma_wait3A_181, %dma_wait3A_182] : memref<32x128x256xf32, #tpu.memory_space<hbm>> -> memref<1x128x256xf32, #tpu.memory_space<hbm>>
        %dma_wait3A_184 = arith.constant 28 : i32
        %dma_wait3A_185 = arith.constant 0 : i32
        %dma_wait3A_186 = arith.constant 0 : i32
        %dma_wait3A_187 = tpu.memref_slice %arg3[%dma_wait3A_184, %dma_wait3A_185, %dma_wait3A_186] : memref<32x128x256xf32, #tpu.memory_space<hbm>> -> memref<1x128x256xf32, #tpu.memory_space<hbm>>
        tpu.wait_dma2 semaphore(%run_scoped3A : memref<!tpu.dma_semaphore, #tpu.memory_space<semaphore_mem>>) src(%arg4 : memref<1x128x256xf32, #tpu.memory_space<vmem>>) dst(%dma_wait3A_187 : memref<1x128x256xf32, #tpu.memory_space<hbm>>)
        tpu.yield
      }) : () -> ()
    } else {
    }
    %eq3A_143 = arith.constant 29 : i32
    %eq3A_144 = arith.cmpi eq, %add3A, %eq3A_143 : i32
    %convert_element_type3A_145 = arith.extui %eq3A_144 : i1 to i32
    %cond3A_146 = arith.constant 0 : i32
    %cond3A_147 = arith.cmpi ne, %convert_element_type3A_145, %cond3A_146 : i32
    scf.if %cond3A_147 {
      %dma_start3A = arith.constant 921 : i32
      %dma_start3A_158 = arith.constant 0 : i32
      %dma_start3A_159 = arith.constant 0 : i32
      %dma_start3A_160 = tpu.memref_slice %arg2[%dma_start3A, %dma_start3A_158, %dma_start3A_159] : memref<1024x128x256xf32, #tpu.memory_space<hbm>> -> memref<1x128x256xf32, #tpu.memory_space<hbm>>
      %dma_start3A_161 = arith.constant 921 : i32
      %dma_start3A_162 = arith.constant 0 : i32
      %dma_start3A_163 = arith.constant 0 : i32
      %dma_start3A_164 = tpu.memref_slice %arg2[%dma_start3A_161, %dma_start3A_162, %dma_start3A_163] : memref<1024x128x256xf32, #tpu.memory_space<hbm>> -> memref<1x128x256xf32, #tpu.memory_space<hbm>>
      tpu.enqueue_dma source(%dma_start3A_164 : memref<1x128x256xf32, #tpu.memory_space<hbm>>) target(%arg4 : memref<1x128x256xf32, #tpu.memory_space<vmem>>) target_semaphore(%arg5 : memref<!tpu.dma_semaphore, #tpu.memory_space<semaphore_mem>>)
      %dma_wait3A = arith.constant 921 : i32
      %dma_wait3A_165 = arith.constant 0 : i32
      %dma_wait3A_166 = arith.constant 0 : i32
      %dma_wait3A_167 = tpu.memref_slice %arg2[%dma_wait3A, %dma_wait3A_165, %dma_wait3A_166] : memref<1024x128x256xf32, #tpu.memory_space<hbm>> -> memref<1x128x256xf32, #tpu.memory_space<hbm>>
      %dma_wait3A_168 = arith.constant 921 : i32
      %dma_wait3A_169 = arith.constant 0 : i32
      %dma_wait3A_170 = arith.constant 0 : i32
      %dma_wait3A_171 = tpu.memref_slice %arg2[%dma_wait3A_168, %dma_wait3A_169, %dma_wait3A_170] : memref<1024x128x256xf32, #tpu.memory_space<hbm>> -> memref<1x128x256xf32, #tpu.memory_space<hbm>>
      tpu.wait_dma2 semaphore(%arg5 : memref<!tpu.dma_semaphore, #tpu.memory_space<semaphore_mem>>) src(%dma_wait3A_171 : memref<1x128x256xf32, #tpu.memory_space<hbm>>) dst(%arg4 : memref<1x128x256xf32, #tpu.memory_space<vmem>>)
      "tpu.region"() ({
        %run_scoped3A = tpu.sem_alloc : memref<!tpu.dma_semaphore, #tpu.memory_space<semaphore_mem>>
        %dma_start3A_172 = arith.constant 29 : i32
        %dma_start3A_173 = arith.constant 0 : i32
        %dma_start3A_174 = arith.constant 0 : i32
        %dma_start3A_175 = tpu.memref_slice %arg3[%dma_start3A_172, %dma_start3A_173, %dma_start3A_174] : memref<32x128x256xf32, #tpu.memory_space<hbm>> -> memref<1x128x256xf32, #tpu.memory_space<hbm>>
        %dma_start3A_176 = arith.constant 29 : i32
        %dma_start3A_177 = arith.constant 0 : i32
        %dma_start3A_178 = arith.constant 0 : i32
        %dma_start3A_179 = tpu.memref_slice %arg3[%dma_start3A_176, %dma_start3A_177, %dma_start3A_178] : memref<32x128x256xf32, #tpu.memory_space<hbm>> -> memref<1x128x256xf32, #tpu.memory_space<hbm>>
        tpu.enqueue_dma source(%arg4 : memref<1x128x256xf32, #tpu.memory_space<vmem>>) target(%dma_start3A_179 : memref<1x128x256xf32, #tpu.memory_space<hbm>>) target_semaphore(%run_scoped3A : memref<!tpu.dma_semaphore, #tpu.memory_space<semaphore_mem>>)
        %dma_wait3A_180 = arith.constant 29 : i32
        %dma_wait3A_181 = arith.constant 0 : i32
        %dma_wait3A_182 = arith.constant 0 : i32
        %dma_wait3A_183 = tpu.memref_slice %arg3[%dma_wait3A_180, %dma_wait3A_181, %dma_wait3A_182] : memref<32x128x256xf32, #tpu.memory_space<hbm>> -> memref<1x128x256xf32, #tpu.memory_space<hbm>>
        %dma_wait3A_184 = arith.constant 29 : i32
        %dma_wait3A_185 = arith.constant 0 : i32
        %dma_wait3A_186 = arith.constant 0 : i32
        %dma_wait3A_187 = tpu.memref_slice %arg3[%dma_wait3A_184, %dma_wait3A_185, %dma_wait3A_186] : memref<32x128x256xf32, #tpu.memory_space<hbm>> -> memref<1x128x256xf32, #tpu.memory_space<hbm>>
        tpu.wait_dma2 semaphore(%run_scoped3A : memref<!tpu.dma_semaphore, #tpu.memory_space<semaphore_mem>>) src(%arg4 : memref<1x128x256xf32, #tpu.memory_space<vmem>>) dst(%dma_wait3A_187 : memref<1x128x256xf32, #tpu.memory_space<hbm>>)
        tpu.yield
      }) : () -> ()
    } else {
    }
    %eq3A_148 = arith.constant 30 : i32
    %eq3A_149 = arith.cmpi eq, %add3A, %eq3A_148 : i32
    %convert_element_type3A_150 = arith.extui %eq3A_149 : i1 to i32
    %cond3A_151 = arith.constant 0 : i32
    %cond3A_152 = arith.cmpi ne, %convert_element_type3A_150, %cond3A_151 : i32
    scf.if %cond3A_152 {
      %dma_start3A = arith.constant 980 : i32
      %dma_start3A_158 = arith.constant 0 : i32
      %dma_start3A_159 = arith.constant 0 : i32
      %dma_start3A_160 = tpu.memref_slice %arg2[%dma_start3A, %dma_start3A_158, %dma_start3A_159] : memref<1024x128x256xf32, #tpu.memory_space<hbm>> -> memref<1x128x256xf32, #tpu.memory_space<hbm>>
      %dma_start3A_161 = arith.constant 980 : i32
      %dma_start3A_162 = arith.constant 0 : i32
      %dma_start3A_163 = arith.constant 0 : i32
      %dma_start3A_164 = tpu.memref_slice %arg2[%dma_start3A_161, %dma_start3A_162, %dma_start3A_163] : memref<1024x128x256xf32, #tpu.memory_space<hbm>> -> memref<1x128x256xf32, #tpu.memory_space<hbm>>
      tpu.enqueue_dma source(%dma_start3A_164 : memref<1x128x256xf32, #tpu.memory_space<hbm>>) target(%arg4 : memref<1x128x256xf32, #tpu.memory_space<vmem>>) target_semaphore(%arg5 : memref<!tpu.dma_semaphore, #tpu.memory_space<semaphore_mem>>)
      %dma_wait3A = arith.constant 980 : i32
      %dma_wait3A_165 = arith.constant 0 : i32
      %dma_wait3A_166 = arith.constant 0 : i32
      %dma_wait3A_167 = tpu.memref_slice %arg2[%dma_wait3A, %dma_wait3A_165, %dma_wait3A_166] : memref<1024x128x256xf32, #tpu.memory_space<hbm>> -> memref<1x128x256xf32, #tpu.memory_space<hbm>>
      %dma_wait3A_168 = arith.constant 980 : i32
      %dma_wait3A_169 = arith.constant 0 : i32
      %dma_wait3A_170 = arith.constant 0 : i32
      %dma_wait3A_171 = tpu.memref_slice %arg2[%dma_wait3A_168, %dma_wait3A_169, %dma_wait3A_170] : memref<1024x128x256xf32, #tpu.memory_space<hbm>> -> memref<1x128x256xf32, #tpu.memory_space<hbm>>
      tpu.wait_dma2 semaphore(%arg5 : memref<!tpu.dma_semaphore, #tpu.memory_space<semaphore_mem>>) src(%dma_wait3A_171 : memref<1x128x256xf32, #tpu.memory_space<hbm>>) dst(%arg4 : memref<1x128x256xf32, #tpu.memory_space<vmem>>)
      "tpu.region"() ({
        %run_scoped3A = tpu.sem_alloc : memref<!tpu.dma_semaphore, #tpu.memory_space<semaphore_mem>>
        %dma_start3A_172 = arith.constant 30 : i32
        %dma_start3A_173 = arith.constant 0 : i32
        %dma_start3A_174 = arith.constant 0 : i32
        %dma_start3A_175 = tpu.memref_slice %arg3[%dma_start3A_172, %dma_start3A_173, %dma_start3A_174] : memref<32x128x256xf32, #tpu.memory_space<hbm>> -> memref<1x128x256xf32, #tpu.memory_space<hbm>>
        %dma_start3A_176 = arith.constant 30 : i32
        %dma_start3A_177 = arith.constant 0 : i32
        %dma_start3A_178 = arith.constant 0 : i32
        %dma_start3A_179 = tpu.memref_slice %arg3[%dma_start3A_176, %dma_start3A_177, %dma_start3A_178] : memref<32x128x256xf32, #tpu.memory_space<hbm>> -> memref<1x128x256xf32, #tpu.memory_space<hbm>>
        tpu.enqueue_dma source(%arg4 : memref<1x128x256xf32, #tpu.memory_space<vmem>>) target(%dma_start3A_179 : memref<1x128x256xf32, #tpu.memory_space<hbm>>) target_semaphore(%run_scoped3A : memref<!tpu.dma_semaphore, #tpu.memory_space<semaphore_mem>>)
        %dma_wait3A_180 = arith.constant 30 : i32
        %dma_wait3A_181 = arith.constant 0 : i32
        %dma_wait3A_182 = arith.constant 0 : i32
        %dma_wait3A_183 = tpu.memref_slice %arg3[%dma_wait3A_180, %dma_wait3A_181, %dma_wait3A_182] : memref<32x128x256xf32, #tpu.memory_space<hbm>> -> memref<1x128x256xf32, #tpu.memory_space<hbm>>
        %dma_wait3A_184 = arith.constant 30 : i32
        %dma_wait3A_185 = arith.constant 0 : i32
        %dma_wait3A_186 = arith.constant 0 : i32
        %dma_wait3A_187 = tpu.memref_slice %arg3[%dma_wait3A_184, %dma_wait3A_185, %dma_wait3A_186] : memref<32x128x256xf32, #tpu.memory_space<hbm>> -> memref<1x128x256xf32, #tpu.memory_space<hbm>>
        tpu.wait_dma2 semaphore(%run_scoped3A : memref<!tpu.dma_semaphore, #tpu.memory_space<semaphore_mem>>) src(%arg4 : memref<1x128x256xf32, #tpu.memory_space<vmem>>) dst(%dma_wait3A_187 : memref<1x128x256xf32, #tpu.memory_space<hbm>>)
        tpu.yield
      }) : () -> ()
    } else {
    }
    %eq3A_153 = arith.constant 31 : i32
    %eq3A_154 = arith.cmpi eq, %add3A, %eq3A_153 : i32
    %convert_element_type3A_155 = arith.extui %eq3A_154 : i1 to i32
    %cond3A_156 = arith.constant 0 : i32
    %cond3A_157 = arith.cmpi ne, %convert_element_type3A_155, %cond3A_156 : i32
    scf.if %cond3A_157 {
      %dma_start3A = arith.constant 981 : i32
      %dma_start3A_158 = arith.constant 0 : i32
      %dma_start3A_159 = arith.constant 0 : i32
      %dma_start3A_160 = tpu.memref_slice %arg2[%dma_start3A, %dma_start3A_158, %dma_start3A_159] : memref<1024x128x256xf32, #tpu.memory_space<hbm>> -> memref<1x128x256xf32, #tpu.memory_space<hbm>>
      %dma_start3A_161 = arith.constant 981 : i32
      %dma_start3A_162 = arith.constant 0 : i32
      %dma_start3A_163 = arith.constant 0 : i32
      %dma_start3A_164 = tpu.memref_slice %arg2[%dma_start3A_161, %dma_start3A_162, %dma_start3A_163] : memref<1024x128x256xf32, #tpu.memory_space<hbm>> -> memref<1x128x256xf32, #tpu.memory_space<hbm>>
      tpu.enqueue_dma source(%dma_start3A_164 : memref<1x128x256xf32, #tpu.memory_space<hbm>>) target(%arg4 : memref<1x128x256xf32, #tpu.memory_space<vmem>>) target_semaphore(%arg5 : memref<!tpu.dma_semaphore, #tpu.memory_space<semaphore_mem>>)
      %dma_wait3A = arith.constant 981 : i32
      %dma_wait3A_165 = arith.constant 0 : i32
      %dma_wait3A_166 = arith.constant 0 : i32
      %dma_wait3A_167 = tpu.memref_slice %arg2[%dma_wait3A, %dma_wait3A_165, %dma_wait3A_166] : memref<1024x128x256xf32, #tpu.memory_space<hbm>> -> memref<1x128x256xf32, #tpu.memory_space<hbm>>
      %dma_wait3A_168 = arith.constant 981 : i32
      %dma_wait3A_169 = arith.constant 0 : i32
      %dma_wait3A_170 = arith.constant 0 : i32
      %dma_wait3A_171 = tpu.memref_slice %arg2[%dma_wait3A_168, %dma_wait3A_169, %dma_wait3A_170] : memref<1024x128x256xf32, #tpu.memory_space<hbm>> -> memref<1x128x256xf32, #tpu.memory_space<hbm>>
      tpu.wait_dma2 semaphore(%arg5 : memref<!tpu.dma_semaphore, #tpu.memory_space<semaphore_mem>>) src(%dma_wait3A_171 : memref<1x128x256xf32, #tpu.memory_space<hbm>>) dst(%arg4 : memref<1x128x256xf32, #tpu.memory_space<vmem>>)
      "tpu.region"() ({
        %run_scoped3A = tpu.sem_alloc : memref<!tpu.dma_semaphore, #tpu.memory_space<semaphore_mem>>
        %dma_start3A_172 = arith.constant 31 : i32
        %dma_start3A_173 = arith.constant 0 : i32
        %dma_start3A_174 = arith.constant 0 : i32
        %dma_start3A_175 = tpu.memref_slice %arg3[%dma_start3A_172, %dma_start3A_173, %dma_start3A_174] : memref<32x128x256xf32, #tpu.memory_space<hbm>> -> memref<1x128x256xf32, #tpu.memory_space<hbm>>
        %dma_start3A_176 = arith.constant 31 : i32
        %dma_start3A_177 = arith.constant 0 : i32
        %dma_start3A_178 = arith.constant 0 : i32
        %dma_start3A_179 = tpu.memref_slice %arg3[%dma_start3A_176, %dma_start3A_177, %dma_start3A_178] : memref<32x128x256xf32, #tpu.memory_space<hbm>> -> memref<1x128x256xf32, #tpu.memory_space<hbm>>
        tpu.enqueue_dma source(%arg4 : memref<1x128x256xf32, #tpu.memory_space<vmem>>) target(%dma_start3A_179 : memref<1x128x256xf32, #tpu.memory_space<hbm>>) target_semaphore(%run_scoped3A : memref<!tpu.dma_semaphore, #tpu.memory_space<semaphore_mem>>)
        %dma_wait3A_180 = arith.constant 31 : i32
        %dma_wait3A_181 = arith.constant 0 : i32
        %dma_wait3A_182 = arith.constant 0 : i32
        %dma_wait3A_183 = tpu.memref_slice %arg3[%dma_wait3A_180, %dma_wait3A_181, %dma_wait3A_182] : memref<32x128x256xf32, #tpu.memory_space<hbm>> -> memref<1x128x256xf32, #tpu.memory_space<hbm>>
        %dma_wait3A_184 = arith.constant 31 : i32
        %dma_wait3A_185 = arith.constant 0 : i32
        %dma_wait3A_186 = arith.constant 0 : i32
        %dma_wait3A_187 = tpu.memref_slice %arg3[%dma_wait3A_184, %dma_wait3A_185, %dma_wait3A_186] : memref<32x128x256xf32, #tpu.memory_space<hbm>> -> memref<1x128x256xf32, #tpu.memory_space<hbm>>
        tpu.wait_dma2 semaphore(%run_scoped3A : memref<!tpu.dma_semaphore, #tpu.memory_space<semaphore_mem>>) src(%arg4 : memref<1x128x256xf32, #tpu.memory_space<vmem>>) dst(%dma_wait3A_187 : memref<1x128x256xf32, #tpu.memory_space<hbm>>)
        tpu.yield
      }) : () -> ()
    } else {
    }
    return
  }
}

</mosaic_0001>

<sc_bundles>
// kernel: kernel.3.cloned.1.call-start
scs
__scs_entry_jumppad:
0x0: {  	(pc) =	sbr.rel $0x88, $3  }
0x1: {  	(tag) =	ssettag $0x0;
	lr =	simm.s32 $0x1  }
0x2: {  	[smem:$0x3FA0] =	sst lr;
	_ =	strace $0xD0000000  }
0x3: {  	_ = 	snop  }
0x4: {  	_ = 	snop  }
0x5: {  	_ = 	snop  }
0x6: {  	_ = 	snop  }
0x7: {  	_ = 	snop  }
__scs_overlays_trampoline_lowered:
0x8: {  	[smem:$0x3FAF] =	sst s0  }
0x9: {  	[smem:$0x3FB0] =	sst s1  }
0xa: {  	[smem:$0x3FB1] =	sst s2  }
0xb: {  	[smem:$0x3FB2] =	sst s3  }
0xc: {  	[smem:$0x3FB3] =	sst s4  }
0xd: {  	[smem:$0x3FB4] =	sst s5  }
0xe: {  	[smem:$0x3FB5] =	sst s6  }
0xf: {  	[smem:$0x3FB6] =	sst s7  }
0x10: {  	[smem:$0x3FB7] =	sst s8  }
0x11: {  	[smem:$0x3FB8] =	sst s9;
	s0 =	simm.s32 @!p0 $0x0  }
0x12: {  	s1 =	sld [smem:$0x3F9E];
	s0 =	simm.s32 @p0 $0x1  }
0x13: {  	[smem:$0x3FB9] =	sst s0;
	s0 =	simm.s32 @!p1 $0x0  }
0x14: {  	s2 =	sld [smem:$0x3F9D];
	s0 =	simm.s32 @p1 $0x1  }
0x15: {  	[smem:$0x3FBA] =	sst s0;
	s0 =	simm.s32 @!p2 $0x0  }
0x16: {  	s3 =	sld [smem:$0x3FDB];
	s0 =	simm.s32 @p2 $0x1  }
0x17: {  	s4 =	simm.s32 $0x1BF5;
	[smem:$0x3FBC] =	sst s0  }
0x18: {  	s0 =	sld [smem:$0x3F9F];
	_ =	swait.ge [sflag:s4], $0x0  }
0x19: {  	s7 =	sld [smem:$0x3FA0]  }
0x1a: {  	s8 =	sadd.s32 $0xFFFFE003, lr  }
0x1b: {  	s9 =	sadd.s32 $0xFFFFFEF7, lr;
	s5 =	simm.s32 $0xFFFFFFFF;
	p2 =	slt.u32 s8, $0xFFFFF086  }
0x1c: {  	p1 =	slt.u32 s9, $0xF7A;
	s5 =	simm.s32 @!p2 $0x0  }
0x1d: {  	s5 =	simm.s32 @p1 $0x1;
	p0 =	seq.s32 s7, s2  }
0x1e: {  	s7 =	smul.u32 @!p0 $0xF7A, s2;
	p2 =	seq.s32 @!p0 s5, $0x0  }
0x1f: {  	s9 =	smul.u32 $0xF7A, s1;
	s8 =	simm.s32 @!p0 $0x1BF5;
	p2 =	por !p2, p0  }
0x20: {  	[sflag:s8] =	ssyncset.s32 @!p0 $0xFFFFF086;
	s6 =	sadd.s32 @!p0 s3, s7;
	s7 =	simm.s32 @!p0 $0x108  }
0x21: {  	s3 =	sadd.s32 s3, s9;
	s6 =	sadd.s32 @!p0 $0x88, s6;
	s7 =	simm.s32 @p2 $0x1082  }
0x22: {  	[simem:s7], [sflag:s8] =	dma.local @!p0 [hbm:s6], $0xF7A  }
0x23: {  	s9 =	sor.u32 $0xD0000000, s2;
	s6 =	simm.s32 $0x108;
	_ =	swait.ge @!p0 [sflag:s8], $0x0  }
0x24: {  	s3 =	sadd.s32 $0x88, s3;
	s6 =	simm.s32 @!p1 $0x1082;
	[sflag:s4] =	ssyncset.s32 $0xFFFFF086  }
0x25: {  	[simem:s6], [sflag:s4] =	dma.local [hbm:s3], $0xF7A  }
0x26: {  	[smem:$0x3FA0] =	sst s1;
	(tag) =	ssettag s2;
	_ =	strace s9  }
0x27: {  	s1 =	sld [smem:$0x3FB0]  }
0x28: {  	s2 =	sld [smem:$0x3FB1]  }
0x29: {  	s4 =	sld [smem:$0x3FB3]  }
0x2a: {  	p0 =	seq.s32 s5, $0x0;
	s5 =	sld [smem:$0x3FB4]  }
0x2b: {  	s6 =	sld [smem:$0x3FB5]  }
0x2c: {  	s7 =	sld [smem:$0x3FB6]  }
0x2d: {  	s3 =	simm.s32 $0x108;
	s8 =	sld [smem:$0x3FB7]  }
0x2e: {  	s3 =	simm.s32 @!p0 $0x1082;
	s9 =	sld [smem:$0x3FB8]  }
0x2f: {  	lr =	sadd.s32 s0, s3;
	s0 =	sld [smem:$0x3FAF]  }
0x30: {  	s3 =	sld [smem:$0x3FB2]  }
0x31: {  	[smem:$0x3FBB] =	sst s10  }
0x32: {  	s10 =	sld [smem:$0x3FB9];
	_ =	sdelay $0x3  }
0x33: {  	p0 =	seq.s32 s10, $0x1;
	s10 =	sld [smem:$0x3FBB];
	_ =	sdelay $0x3  }
0x34: {  	[smem:$0x3FBB] =	sst s10  }
0x35: {  	s10 =	sld [smem:$0x3FBA];
	_ =	sdelay $0x3  }
0x36: {  	p1 =	seq.s32 s10, $0x1;
	s10 =	sld [smem:$0x3FBB];
	_ =	sdelay $0x3  }
0x37: {  	[smem:$0x3FBB] =	sst s10  }
0x38: {  	s10 =	sld [smem:$0x3FBC]  }
0x39: {  	_ = 	snop;
	(pc) =	sbr.ind lr, $3  }
0x3a: {  	_ = 	snop  }
0x3b: {  	_ = 	snop  }
0x3c: {  	p2 =	seq.s32 s10, $0x1;
	s10 =	sld [smem:$0x3FBB]  }
0x3d: {  	_ =	shalt  }
0x3e: {  	_ =	shalt  }
0x3f: {  	_ =	shalt  }
0x40: {  	_ =	shalt  }
0x41: {  	_ =	shalt  }
0x42: {  	_ =	shalt  }
0x43: {  	_ =	shalt  }
0x44: {  	_ =	shalt  }
0x45: {  	_ =	shalt  }
0x46: {  	_ =	shalt  }
0x47: {  	_ =	shalt  }
0x48: {  	_ =	shalt  }
0x49: {  	_ =	shalt  }
0x4a: {  	_ =	shalt  }
0x4b: {  	_ =	shalt  }
0x4c: {  	_ =	shalt  }
0x4d: {  	_ =	shalt  }
0x4e: {  	_ =	shalt  }
0x4f: {  	_ =	shalt  }
0x50: {  	_ =	shalt  }
0x51: {  	_ =	shalt  }
0x52: {  	_ =	shalt  }
0x53: {  	_ =	shalt  }
0x54: {  	_ =	shalt  }
0x55: {  	_ =	shalt  }
0x56: {  	_ =	shalt  }
0x57: {  	_ =	shalt  }
0x58: {  	_ =	shalt  }
0x59: {  	_ =	shalt  }
0x5a: {  	_ =	shalt  }
0x5b: {  	_ =	shalt  }
0x5c: {  	_ =	shalt  }
0x5d: {  	_ =	shalt  }
0x5e: {  	_ =	shalt  }
0x5f: {  	_ =	shalt  }
0x60: {  	_ =	shalt  }
0x61: {  	_ =	shalt  }
0x62: {  	_ =	shalt  }
0x63: {  	_ =	shalt  }
0x64: {  	_ =	shalt  }
0x65: {  	_ =	shalt  }
0x66: {  	_ =	shalt  }
0x67: {  	_ =	shalt  }
0x68: {  	_ =	shalt  }
0x69: {  	_ =	shalt  }
0x6a: {  	_ =	shalt  }
0x6b: {  	_ =	shalt  }
0x6c: {  	_ =	shalt  }
0x6d: {  	_ =	shalt  }
0x6e: {  	_ =	shalt  }
0x6f: {  	_ =	shalt  }
0x70: {  	_ =	shalt  }
0x71: {  	_ =	shalt  }
0x72: {  	_ =	shalt  }
0x73: {  	_ =	shalt  }
0x74: {  	_ =	shalt  }
0x75: {  	_ =	shalt  }
0x76: {  	_ =	shalt  }
0x77: {  	_ =	shalt  }
0x78: {  	_ =	shalt  }
0x79: {  	_ =	shalt  }
0x7a: {  	_ =	shalt  }
0x7b: {  	_ =	shalt  }
0x7c: {  	_ =	shalt  }
0x7d: {  	_ =	shalt  }
0x7e: {  	_ =	shalt  }
0x7f: {  	_ =	shalt  }
0x80: {  	_ =	shalt  }
0x81: {  	_ =	shalt  }
0x82: {  	_ =	shalt  }
0x83: {  	_ =	shalt  }
0x84: {  	_ =	shalt  }
0x85: {  	_ =	shalt  }
0x86: {  	_ =	shalt  }
0x87: {  	_ =	shalt  }
.Lfunc_end0:
.L_simem_size_0:
called_computation_lowered:
.L_overlay_start_0:
0x88: {  	s2 =	sld [smem:$0x3FD9]  }
0x89: {  	s3 =	sld [smem:$0x3FFE];
	_ =	sdelay $0x1  }
0x8a: {  	s1 =	srdreg.scid  }
0x8b: {  	s0 =	sand.u32 $0x1, s1  }
0x8c: {  	s18 =	sshll.u32 s0, $0xA;
	s2 =	sadd.s32 s3, s2  }
0x8d: {  	s2 =	sadd.s32 s2, s18  }
0x8e: {  	[smem:$0x3FC7] =	sst s2  }
0x8f: {  	_ = 	snop  }
0x90: {  	s2 =	sld [smem:$0x3FC9]  }
0x91: {  	s19 =	sld [smem:$0x3FD0];
	(tm) =	ssettm $0x1  }
0x92: {  	s4 =	sld [smem:$0x3FFB];
	_ =	sdelay $0x3  }
0x93: {  	_ =	strace s4  }
0x94: {  	s4 =	sld [smem:$0x3FFC];
	_ =	sdelay $0x3  }
0x95: {  	_ =	strace s4  }
0x96: {  	s4 =	sld [smem:$0x3FFD];
	_ =	sdelay $0x3  }
0x97: {  	_ =	strace s4  }
0x98: {  	_ =	strace $0x8FFFFFFF  }
0x99: {  	s20 =	sld [smem:$0x3FDB];
	_ =	sdelay $0x1  }
0x9a: {  	s5 =	simm.s32 $_scs_section_size  }
0x9b: {  	s6 =	simm.s32 $_size__tile_overlayer_lowered;
	s7 =	simm.s32 $_tile_overlayer_lowered  }
0x9c: {  	s23 =	simm.s32 $0x1BFF;
	s22 =	sshll.u32 s7, $0x1;
	s4 =	sadd.s32 s5, s20  }
0x9d: {  	s8 =	simm.s32 $0x0;
	s21 =	sshll.u32 s6, $0x1;
	s6 =	sadd.s32 s22, s4  }
0x9e: {  	[timem:s8], [sflag:s23] =	dma.local [hbm:s6], s21  }
0x9f: {  	_ =	swait.ge [sflag:s23], s21  }
0xa0: {  	s5 =	ssub.s32 $0x0, s21;
	[sflag:s23] =	ssyncset.done $0x0  }
0xa1: {  	[sflag:s23] =	ssyncadd.s32 s5;
	_ =	sdelay $0x1  }
0xa2: {  	s24 =	simm.s32 $0x1B8B  }
0xa3: {  	_ =	swait.ge [sflag:s24], $0x1  }
0xa4: {  	[sflag:s24] =	ssyncset.done $0x0  }
0xa5: {  	s25 =	simm.s32 $0x1B8E;
	[sflag:s24] =	ssyncadd.s32 $0xFFFFFFFF  }
0xa6: {  	s26 =	simm.s32 $execute0_lowered;
	[smem:$0x3FD2] =	sst s25  }
0xa7: {  	s5 =	sshll.u32 s26, $0x1;
	_ =	strace $0x80000046;
	[dreg:$0x1] =	wrdreg $0xFFFFFFFF  }
0xa8: {  	s28 =	simm.s32 $_size_execute0_lowered;
	s4 =	sadd.s32 s4, s5;
	[dreg:$0x0] =	wrdreg $0x0  }
0xa9: {  	s5 =	sshll.u32 s28, $0x1;
	[dreg:$0x2] =	wrdreg s4  }
0xaa: {  	[dreg:$0x3] =	wrdreg s5  }
0xab: {  	[dreg:$0x4] =	wrdreg $0xC0  }
0xac: {  	_ =	task [dreg:s8], $0x5FFFF  }
0xad: {  	[dreg:$0x1] =	wrdreg $0xFFFFFFFF  }
0xae: {  	[dreg:$0x0] =	wrdreg $0x60  }
0xaf: {  	[dreg:$0x2] =	wrdreg s2  }
0xb0: {  	[dreg:$0x3] =	wrdreg s19  }
0xb1: {  	[dreg:$0x4] =	wrdreg $0x9  }
0xb2: {  	_ =	task.clear_ibuf [dreg:s8], $0x5FFFF;
	_ =	strace $0x90000046  }
0xb3: {  	s29 =	simm.s32 $0x9;
	_ =	strace $0x80000048  }
0xb4: {  	_ =	swait.ge [sflag:s29], $0x1  }
0xb5: {  	[sflag:s29] =	ssyncadd.s32 $0xFFFFFFFF  }
0xb6: {  	_ =	strace $0x90000048  }
0xb7: {  	_ =	sfence  }
0xb8: {  	s30 =	sld [smem:$0x0];
	_ =	sdelay $0x2  }
0xb9: {  	s31 =	sshll.u32 s1, $0xD;
	s1 =	sshrl.u32 s1, $0x2  }
0xba: {  	s3 =	sand.u32 $0x4000, s31;
	s1 =	sadd.s32 s1, s30  }
0xbb: {  	s0 =	sor.u32 s3, s0;
	s1 =	sshll.u32 s1, $0x11  }
0xbc: {  	s0 =	sor.u32 s1, s0  }
0xbd: {  	s0 =	sadd.s32 $0x8F2B, s0  }
0xbe: {  	[sflag:s0] =	ssyncadd.remote.s32 $0x1  }
0xbf: {  	_ =	sfence.sel $0xFFFF  }
0xc0: {  	[dreg:$0x0] =	wrdreg $0xFFFFFFFF;
	(pc) =	sbr.abs _section_cstart, $3  }
0xc1: {  	[dreg:$0x1] =	wrdreg $0xFFFFFFFF  }
0xc2: {  	_ =	task.clear_ibuf [dreg:s8], $0x2FFFF;
	_ =	strace $0x9FFFFFFF  }
0xc3: {  	(tm) =	ssettm $0x7FFFFFFF  }
tec
execute0_lowered:
.L_overlay_start_1:
0x0: {  	(tag) =	ssettag $0x1  }
0x1: {  	s0 =	srdreg.scid;
	s1 =	stileid.u32  }
0x2: {  	s0 =	sand.u32 $0x1, s0;
	s1 =	sshll.u32 s1, $0x1  }
0x3: {  	s1 =	sor.u32 s0, s1  }
0x4: {  	p0 =	sgt.s32 s1, $0x3  }
0x5: {  	p2 =	sgt.s32 @p0 s1, $0x5  }
0x6: {  	p1 =	por !p2, !p0  }
0x7: {  	p3 =	seq.s32 @!p1 s1, $0x6  }
0x8: {  	p1 =	por @p0 !p3, !p2  }
0x9: {  	s2 =	simm.s32 @!p1 $0x0  }
0xa: {  	p4 =	por p2, !p0;
	s2 =	simm.s32 @p1 $0x1;
	p1 =	por @p0 p3, !p2  }
0xb: {  	p4 =	seq.s32 @!p4 s1, $0x4;
	[smem:$0x7DE] =	sst s2;
	s2 =	simm.s32 @!p1 $0x0  }
0xc: {  	s2 =	simm.s32 @p1 $0x1;
	p1 =	por @p0 !p4, p2  }
0xd: {  	p5 =	sgt.s32 @!p0 s1, $0x1;
	[smem:$0x7E0] =	sst s2;
	s2 =	simm.s32 @!p1 $0x0  }
0xe: {  	p6 =	por !p5, p0;
	s2 =	simm.s32 @p1 $0x1;
	p1 =	por p5, p0  }
0xf: {  	p6 =	seq.s32 @!p6 s1, $0x2;
	s3 =	sld [smem:$0x7DE];
	p1 =	seq.s32 @!p1 s1, $0x0  }
0x10: {  	p2 =	por @p0 p4, p2;
	s4 =	sld [smem:$0x7E0];
	p3 =	por @!p0 !p1, p5  }
0x11: {  	p4 =	por @!p0 !p6, !p5;
	[smem:$0x7E2] =	sst s2;
	s2 =	simm.s32 @!p3 $0x0  }
0x12: {  	p6 =	por @!p0 p6, !p5;
	s2 =	simm.s32 @p3 $0x1;
	p3 =	seq.s32 s3, $0x1  }
0x13: {  	p5 =	por @!p0 p1, p5;
	s5 =	sld [smem:$0x7E2];
	p1 =	por p3, !p0  }
0x14: {  	[smem:$0x7E7] =	sst s2;
	p3 =	seq.s32 s4, $0x1;
	s2 =	simm.s32 @!p1 $0x0  }
0x15: {  	s2 =	simm.s32 @p1 $0x1;
	p1 =	por p3, !p0  }
0x16: {  	p3 =	seq.s32 s5, $0x1;
	[smem:$0x7DF] =	sst s2;
	s2 =	simm.s32 @!p1 $0x0  }
0x17: {  	p3 =	por p3, !p0;
	s2 =	simm.s32 @p1 $0x1  }
0x18: {  	[smem:$0x7E1] =	sst s2;
	s2 =	simm.s32 @!p3 $0x0  }
0x19: {  	p2 =	por p2, !p0;
	s2 =	simm.s32 @p3 $0x1  }
0x1a: {  	[smem:$0x7E3] =	sst s2;
	s2 =	simm.s32 @!p2 $0x0  }
0x1b: {  	s6 =	sld [smem:$0x7E7];
	p3 =	por p4, p0;
	s2 =	simm.s32 @p2 $0x1  }
0x1c: {  	[smem:$0x7E4] =	sst s2;
	s2 =	simm.s32 @!p3 $0x0  }
0x1d: {  	s2 =	simm.s32 @p3 $0x1;
	p3 =	por p6, p0  }
0x1e: {  	p6 =	seq.s32 s6, $0x1;
	[smem:$0x7E5] =	sst s2;
	s2 =	simm.s32 @!p3 $0x0  }
0x1f: {  	p1 =	sgt.s32 s1, $0xB;
	p4 =	por p6, p0;
	s2 =	simm.s32 @p3 $0x1  }
0x20: {  	p2 =	sgt.s32 @p1 s1, $0xD;
	[smem:$0x7E6] =	sst s2;
	s2 =	simm.s32 @!p4 $0x0  }
0x21: {  	p0 =	por p5, p0;
	p3 =	por !p2, !p1;
	s2 =	simm.s32 @p4 $0x1  }
0x22: {  	p3 =	seq.s32 @!p3 s1, $0xE;
	[smem:$0x7E8] =	sst s2;
	s2 =	simm.s32 @!p0 $0x0  }
0x23: {  	s2 =	simm.s32 @p0 $0x1;
	p0 =	por @p1 !p3, !p2  }
0x24: {  	[smem:$0x7E9] =	sst s2;
	s2 =	simm.s32 @!p0 $0x0  }
0x25: {  	p4 =	por p2, !p1;
	s2 =	simm.s32 @p0 $0x1;
	p0 =	por @p1 p3, !p2  }
0x26: {  	p4 =	seq.s32 @!p4 s1, $0xC;
	[smem:$0x7EA] =	sst s2;
	s2 =	simm.s32 @!p0 $0x0  }
0x27: {  	p6 =	sgt.s32 @!p1 s1, $0x9;
	s2 =	simm.s32 @p0 $0x1;
	p0 =	por @p1 !p4, p2  }
0x28: {  	p4 =	por @p1 p4, p2;
	p2 =	por !p6, p1;
	s5 =	sld [smem:$0x7EA]  }
0x29: {  	[smem:$0x7EC] =	sst s2;
	s2 =	simm.s32 @!p0 $0x0;
	p2 =	seq.s32 @!p2 s1, $0xA  }
0x2a: {  	s2 =	simm.s32 @p0 $0x1;
	p5 =	por @!p1 !p2, !p6;
	p2 =	por @!p1 p2, !p6  }
0x2b: {  	p0 =	por p6, p1;
	s8 =	sld [smem:$0x7EC];
	s4 =	simm.s32 @!p2 $0x0  }
0x2c: {  	[smem:$0x7EE] =	sst s2;
	p0 =	seq.s32 @!p0 s1, $0x8;
	s4 =	simm.s32 @p2 $0x1  }
0x2d: {  	p2 =	por @!p1 !p0, p6;
	p3 =	por @!p1 p0, p6;
	p6 =	seq.s32 s5, $0x1  }
0x2e: {  	s9 =	sld [smem:$0x7EE];
	p0 =	por p6, !p1  }
0x2f: {  	p6 =	seq.s32 s8, $0x1;
	s5 =	simm.s32 @!p0 $0x0  }
0x30: {  	s5 =	simm.s32 @p0 $0x1;
	p0 =	por p6, !p1  }
0x31: {  	p6 =	seq.s32 s9, $0x1;
	[smem:$0x7EB] =	sst s5;
	s5 =	simm.s32 @!p0 $0x0  }
0x32: {  	[smem:$0x7F2] =	sst s4;
	s5 =	simm.s32 @p0 $0x1;
	p0 =	por p6, !p1  }
0x33: {  	[smem:$0x7ED] =	sst s5;
	s5 =	simm.s32 @!p0 $0x0  }
0x34: {  	s10 =	sld [smem:$0x7F2];
	s5 =	simm.s32 @p0 $0x1;
	p0 =	por p4, !p1  }
0x35: {  	s7 =	simm.s32 $0x0;
	[smem:$0x7EF] =	sst s5;
	s5 =	simm.s32 @!p0 $0x0  }
0x36: {  	[smem:$0x7FF] =	sst s7;
	s5 =	simm.s32 @p0 $0x1;
	p0 =	por p5, p1  }
0x37: {  	p6 =	seq.s32 s10, $0x1;
	[smem:$0x7F0] =	sst s5;
	s5 =	simm.s32 @!p0 $0x0  }
0x38: {  	s3 =	rddreg [dreg:$0x0];
	s5 =	simm.s32 @p0 $0x1;
	p0 =	por p6, p1  }
0x39: {  	[smem:$0x7F1] =	sst s5;
	s5 =	simm.s32 @!p0 $0x0  }
0x3a: {  	s2 =	rddreg [dreg:$0x1];
	s5 =	simm.s32 @p0 $0x1  }
0x3b: {  	s12 =	sadd.s32 $0x3D5000, s3;
	[smem:$0x7F3] =	sst s5  }
0x3c: {  	s13 =	sadd.s32 $0x3D4000, s3;
	_ =	strace $0x80000047;
	[dreg:$0x3] =	wrdreg s12  }
0x3d: {  	s14 =	sadd.s32 $0x399000, s3;
	[dreg:$0x4] =	wrdreg s13  }
0x3e: {  	s15 =	sadd.s32 $0x398000, s3;
	[dreg:$0x5] =	wrdreg s14  }
0x3f: {  	s16 =	sadd.s32 $0x347000, s3;
	[dreg:$0x6] =	wrdreg s15  }
0x40: {  	s17 =	sadd.s32 $0x346000, s3;
	[dreg:$0x7] =	wrdreg s16  }
0x41: {  	s18 =	sadd.s32 $0x333000, s3;
	[dreg:$0x8] =	wrdreg s17  }
0x42: {  	s19 =	sadd.s32 $0x332000, s3;
	[dreg:$0x9] =	wrdreg s18  }
0x43: {  	s20 =	sadd.s32 $0x2F5000, s3;
	[dreg:$0xa] =	wrdreg s19  }
0x44: {  	s21 =	sadd.s32 $0x2F4000, s3;
	[dreg:$0xb] =	wrdreg s20  }
0x45: {  	s22 =	sadd.s32 $0x289000, s3;
	[dreg:$0xc] =	wrdreg s21  }
0x46: {  	s23 =	sadd.s32 $0x288000, s3;
	[dreg:$0xd] =	wrdreg s22  }
0x47: {  	s24 =	sadd.s32 $0x265000, s3;
	[dreg:$0xe] =	wrdreg s23  }
0x48: {  	s25 =	sadd.s32 $0x264000, s3;
	[dreg:$0xf] =	wrdreg s24  }
0x49: {  	s26 =	sadd.s32 $0x205000, s3;
	[dreg:$0x10] =	wrdreg s25  }
0x4a: {  	s5 =	sadd.s32 $0x204000, s3;
	[dreg:$0x11] =	wrdreg s26  }
0x4b: {  	s6 =	sadd.s32 $0x1EF000, s3;
	[dreg:$0x12] =	wrdreg s5  }
0x4c: {  	s0 =	ssub.s32 $0x2, s0;
	s7 =	sadd.s32 $0x1EE000, s3;
	[dreg:$0x13] =	wrdreg s6  }
0x4d: {  	s11 =	sshrl.u32 s0, $0x1;
	s8 =	sadd.s32 $0x1A3000, s3;
	[dreg:$0x14] =	wrdreg s7  }
0x4e: {  	s0 =	ssub.s32 s0, s11;
	s9 =	sadd.s32 $0x1A2000, s3;
	[dreg:$0x15] =	wrdreg s8  }
0x4f: {  	s11 =	sadd.s32 $0x146000, s3;
	s10 =	sadd.s32 $0x147000, s3;
	[dreg:$0x16] =	wrdreg s9  }
0x50: {  	s28 =	sadd.s32 $0xC000, s2;
	s29 =	sadd.s32 $0xB000, s2;
	[dreg:$0x17] =	wrdreg s10  }
0x51: {  	s30 =	sadd.s32 $0xA000, s2;
	[dreg:$0x18] =	wrdreg s11;
	s12 =	sadd.s32 $0x10B000, s3  }
0x52: {  	s31 =	sadd.s32 $0x9000, s2;
	s13 =	sadd.s32 $0x10A000, s3;
	[dreg:$0x19] =	wrdreg s12  }
0x53: {  	s4 =	sadd.s32 $0x6000, s2;
	s14 =	sadd.s32 $0xF3000, s3;
	[dreg:$0x1a] =	wrdreg s13  }
0x54: {  	p6 =	sgt.s32 s1, $0xF;
	s15 =	sadd.s32 $0xF2000, s3;
	[dreg:$0x1b] =	wrdreg s14  }
0x55: {  	p0 =	por p2, p1;
	s16 =	sadd.s32 $0x97000, s3;
	[dreg:$0x1c] =	wrdreg s15  }
0x56: {  	p1 =	por p3, p1;
	s17 =	sadd.s32 $0x96000, s3;
	[dreg:$0x1d] =	wrdreg s16  }
0x57: {  	p2 =	sgt.s32 s1, $0x7;
	s18 =	sadd.s32 $0x75000, s3;
	[dreg:$0x1e] =	wrdreg s17  }
0x58: {  	s19 =	sadd.s32 $0x74000, s3;
	s20 =	sadd.s32 $0x11000, s3;
	[dreg:$0x1f] =	wrdreg s18  }
0x59: {  	s3 =	sadd.s32 $0x10000, s3;
	s7 =	smax.u32 s0, $0x1;
	[smem:$0x7F4] =	sst s19  }
0x5a: {  	s0 =	simm.s32 @!p2 $0x0;
	s21 =	sadd.s32 $0x1F000, s2;
	[smem:$0x7F5] =	sst s20  }
0x5b: {  	s22 =	sadd.s32 $0x1E000, s2;
	s23 =	sadd.s32 $0x1D000, s2;
	[smem:$0x7F6] =	sst s3  }
0x5c: {  	s24 =	sadd.s32 $0x1C000, s2;
	s25 =	sadd.s32 $0x1B000, s2;
	[smem:$0x7F8] =	sst s21  }
0x5d: {  	s26 =	sadd.s32 $0x1A000, s2;
	s5 =	sadd.s32 $0x5000, s2;
	[smem:$0x7F9] =	sst s22  }
0x5e: {  	s6 =	sadd.s32 $0x4000, s2;
	s8 =	sadd.s32 $0x3000, s2;
	[smem:$0x7FA] =	sst s23  }
0x5f: {  	s9 =	sadd.s32 $0x2000, s2;
	s10 =	sadd.s32 $0x1000, s2;
	[smem:$0x7FB] =	sst s24  }
0x60: {  	s11 =	simm.s32 $0x2;
	s0 =	simm.s32 @p2 $0x1;
	[smem:$0x7FC] =	sst s25  }
0x61: {  	[smem:$0x7FD] =	sst s26;
	s14 =	sadd.s32 $0x19000, s2;
	s15 =	sadd.s32 $0x18000, s2  }
.Ltmp0:
0x62: {  	s16 =	sadd.s32 $0x17000, s2;
	s17 =	sadd.s32 $0x16000, s2;
	(pc) =	sbr.rel .LBB2_1-.Ltmp0, $4  }
0x63: {  	s18 =	sadd.s32 $0x15000, s2;
	s19 =	sadd.s32 $0x14000, s2;
	s20 =	sadd.s32 $0x13000, s2  }
0x64: {  	s21 =	sadd.s32 $0x12000, s2;
	s22 =	sadd.s32 $0x11000, s2;
	s23 =	sadd.s32 $0x10000, s2  }
0x65: {  	s24 =	sadd.s32 $0xF000, s2;
	s25 =	sadd.s32 $0xE000, s2;
	s26 =	sadd.s32 $0xD000, s2  }
0x66: {  	s3 =	sadd.s32 $0x8000, s2;
	[smem:$0x7F7] =	sst s0;
	s0 =	sadd.s32 $0x7000, s2  }
.LBB2_7:
0x67: {  	p2 =	sgt.s32 s1, $0x1B  }
0x68: {  	p3 =	sgt.s32 @p2 s1, $0x1D  }
0x69: {  	p4 =	por !p3, !p2  }
0x6a: {  	p4 =	seq.s32 @!p4 s1, $0x1E  }
0x6b: {  	p5 =	por @p2 !p4, !p3  }
0x6c: {  	p5 =	por p5, !p2  }
0x6d: {  	s13 =	rddreg [dreg:$0x4];
	s12 =	simm.s32 @!p5 $0x0  }
0x6e: {  	[tilespmem:s12], [sflag:$0x1] =	stream.linear.gather @!p5 [hbm4b:s13+s12], $0x8000, $0x38;
	[tilespmem:$0x8000] =	vst v63  }
0x6f: {  	s13 =	simm.s32 @!p5 $0x1  }
0x70: {  	_ =	swait.ge @!p5 [sflag:s13], $0x8000  }
0x71: {  	[sflag:s13] =	ssyncset.done @!p5 $0x0  }
0x72: {  	[sflag:s13] =	ssyncadd.s32 @!p5 $0xFFFF8000;
	s13 =	sld [smem:$0x7F9]  }
0x73: {  	p4 =	por @p2 p4, !p3  }
0x74: {  	p4 =	por p4, !p2  }
0x75: {  	[hbm4b:s13+s12] =	stream.linear.scatter @!p5 [tilespmem:s12], [sflag:$0x2], $0x8000, $0x38;
	[tilespmem:$0x8000] =	vst v63  }
0x76: {  	s12 =	simm.s32 @!p4 $0x0;
	s13 =	rddreg [dreg:$0x3]  }
0x77: {  	[tilespmem:s12], [sflag:$0x1] =	stream.linear.gather @!p4 [hbm4b:s13+s12], $0x8000, $0x38;
	[tilespmem:$0x8000] =	vst v63  }
0x78: {  	s13 =	simm.s32 @!p4 $0x1  }
0x79: {  	_ =	swait.ge @!p4 [sflag:s13], $0x8000  }
0x7a: {  	[sflag:s13] =	ssyncset.done @!p4 $0x0  }
0x7b: {  	[sflag:s13] =	ssyncadd.s32 @!p4 $0xFFFF8000;
	s13 =	sld [smem:$0x7F8];
	_ =	sdelay $0x2  }
0x7c: {  	[hbm4b:s13+s12] =	stream.linear.scatter @!p4 [tilespmem:s12], [sflag:$0x2], $0x8000, $0x38;
	[tilespmem:$0x8000] =	vst v63  }
0x7d: {  	p4 =	por p3, !p2  }
0x7e: {  	p4 =	seq.s32 @!p4 s1, $0x1C  }
0x7f: {  	p5 =	por @p2 !p4, p3  }
0x80: {  	p5 =	por p5, !p2  }
0x81: {  	s13 =	rddreg [dreg:$0x6];
	s12 =	simm.s32 @!p5 $0x0  }
0x82: {  	[tilespmem:s12], [sflag:$0x1] =	stream.linear.gather @!p5 [hbm4b:s13+s12], $0x8000, $0x38;
	[tilespmem:$0x8000] =	vst v63  }
0x83: {  	s13 =	simm.s32 @!p5 $0x1  }
0x84: {  	_ =	swait.ge @!p5 [sflag:s13], $0x8000  }
0x85: {  	[sflag:s13] =	ssyncset.done @!p5 $0x0  }
0x86: {  	[sflag:s13] =	ssyncadd.s32 @!p5 $0xFFFF8000;
	s13 =	sld [smem:$0x7FB]  }
0x87: {  	p3 =	por @p2 p4, p3  }
0x88: {  	p3 =	por p3, !p2  }
0x89: {  	[hbm4b:s13+s12] =	stream.linear.scatter @!p5 [tilespmem:s12], [sflag:$0x2], $0x8000, $0x38;
	[tilespmem:$0x8000] =	vst v63  }
0x8a: {  	s12 =	simm.s32 @!p3 $0x0;
	s13 =	rddreg [dreg:$0x5]  }
0x8b: {  	[tilespmem:s12], [sflag:$0x1] =	stream.linear.gather @!p3 [hbm4b:s13+s12], $0x8000, $0x38;
	[tilespmem:$0x8000] =	vst v63  }
0x8c: {  	s13 =	simm.s32 @!p3 $0x1  }
0x8d: {  	_ =	swait.ge @!p3 [sflag:s13], $0x8000  }
0x8e: {  	[sflag:s13] =	ssyncset.done @!p3 $0x0  }
0x8f: {  	[sflag:s13] =	ssyncadd.s32 @!p3 $0xFFFF8000;
	s13 =	sld [smem:$0x7FA];
	_ =	sdelay $0x2  }
0x90: {  	[hbm4b:s13+s12] =	stream.linear.scatter @!p3 [tilespmem:s12], [sflag:$0x2], $0x8000, $0x38;
	[tilespmem:$0x8000] =	vst v63  }
0x91: {  	p3 =	sgt.s32 @!p2 s1, $0x19  }
0x92: {  	p4 =	por !p3, p2  }
0x93: {  	p4 =	seq.s32 @!p4 s1, $0x1A  }
0x94: {  	p5 =	por @!p2 !p4, !p3  }
0x95: {  	p5 =	por p5, p2  }
0x96: {  	s13 =	rddreg [dreg:$0x8];
	s12 =	simm.s32 @!p5 $0x0  }
0x97: {  	[tilespmem:s12], [sflag:$0x1] =	stream.linear.gather @!p5 [hbm4b:s13+s12], $0x8000, $0x38;
	[tilespmem:$0x8000] =	vst v63  }
0x98: {  	s13 =	simm.s32 @!p5 $0x1  }
0x99: {  	_ =	swait.ge @!p5 [sflag:s13], $0x8000  }
0x9a: {  	[sflag:s13] =	ssyncset.done @!p5 $0x0  }
0x9b: {  	[sflag:s13] =	ssyncadd.s32 @!p5 $0xFFFF8000;
	s13 =	sld [smem:$0x7FD]  }
0x9c: {  	p4 =	por @!p2 p4, !p3  }
0x9d: {  	p4 =	por p4, p2  }
0x9e: {  	[hbm4b:s13+s12] =	stream.linear.scatter @!p5 [tilespmem:s12], [sflag:$0x2], $0x8000, $0x38;
	[tilespmem:$0x8000] =	vst v63  }
0x9f: {  	s12 =	simm.s32 @!p4 $0x0;
	s13 =	rddreg [dreg:$0x7]  }
0xa0: {  	[tilespmem:s12], [sflag:$0x1] =	stream.linear.gather @!p4 [hbm4b:s13+s12], $0x8000, $0x38;
	[tilespmem:$0x8000] =	vst v63  }
0xa1: {  	s13 =	simm.s32 @!p4 $0x1  }
0xa2: {  	_ =	swait.ge @!p4 [sflag:s13], $0x8000  }
0xa3: {  	[sflag:s13] =	ssyncset.done @!p4 $0x0  }
0xa4: {  	[sflag:s13] =	ssyncadd.s32 @!p4 $0xFFFF8000;
	s13 =	sld [smem:$0x7FC];
	_ =	sdelay $0x2  }
0xa5: {  	[hbm4b:s13+s12] =	stream.linear.scatter @!p4 [tilespmem:s12], [sflag:$0x2], $0x8000, $0x38;
	[tilespmem:$0x8000] =	vst v63  }
0xa6: {  	p4 =	por p3, p2  }
0xa7: {  	p4 =	seq.s32 @!p4 s1, $0x18  }
0xa8: {  	p5 =	por @!p2 !p4, p3  }
0xa9: {  	p5 =	por p5, p2  }
0xaa: {  	s13 =	rddreg [dreg:$0xa];
	s12 =	simm.s32 @!p5 $0x0  }
0xab: {  	[tilespmem:s12], [sflag:$0x1] =	stream.linear.gather @!p5 [hbm4b:s13+s12], $0x8000, $0x38;
	[tilespmem:$0x8000] =	vst v63  }
0xac: {  	s13 =	simm.s32 @!p5 $0x1  }
0xad: {  	_ =	swait.ge @!p5 [sflag:s13], $0x8000  }
0xae: {  	p3 =	por @!p2 p4, p3;
	[sflag:s13] =	ssyncset.done @!p5 $0x0  }
0xaf: {  	p2 =	por p3, p2;
	[sflag:s13] =	ssyncadd.s32 @!p5 $0xFFFF8000  }
0xb0: {  	[hbm4b:s15+s12] =	stream.linear.scatter @!p5 [tilespmem:s12], [sflag:$0x2], $0x8000, $0x38;
	[tilespmem:$0x8000] =	vst v63  }
0xb1: {  	s13 =	rddreg [dreg:$0x9];
	s12 =	simm.s32 @!p2 $0x0  }
0xb2: {  	[tilespmem:s12], [sflag:$0x1] =	stream.linear.gather @!p2 [hbm4b:s13+s12], $0x8000, $0x38;
	[tilespmem:$0x8000] =	vst v63  }
0xb3: {  	s13 =	simm.s32 @!p2 $0x1  }
0xb4: {  	_ =	swait.ge @!p2 [sflag:s13], $0x8000  }
0xb5: {  	[sflag:s13] =	ssyncset.done @!p2 $0x0  }
0xb6: {  	[sflag:s13] =	ssyncadd.s32 @!p2 $0xFFFF8000  }
0xb7: {  	[hbm4b:s14+s12] =	stream.linear.scatter @!p2 [tilespmem:s12], [sflag:$0x2], $0x8000, $0x38;
	[tilespmem:$0x8000] =	vst v63  }
.LBB2_8:
0xb8: {  	s7 =	sadd.s32 $0xFFFFFFFF, s7  }
0xb9: {  	p2 =	sne.s32 s7, $0x0  }
.Ltmp1:
0xba: {  	_ = 	snop;
	(pc) =	sbr.rel @!p2 .LBB2_9-.Ltmp1, $4  }
0xbb: {  	_ = 	snop  }
0xbc: {  	_ =	swait.ge [sflag:s11], $0x8000  }
0xbd: {  	[sflag:s11] =	ssyncset.done $0x0  }
0xbe: {  	[sflag:s11] =	ssyncadd.s32 $0xFFFF8000  }
.LBB2_1:
.Ltmp2:
0xbf: {  	(pc) =	sbr.rel @p6 .LBB2_5-.Ltmp2, $1  }
0xc0: {  	_ =	sdelay $0x3  }
0xc1: {  	s12 =	sld [smem:$0x7F7];
	_ =	sdelay $0x2  }
0xc2: {  	p2 =	seq.s32 s12, $0x1  }
.Ltmp3:
0xc3: {  	_ = 	snop;
	(pc) =	sbr.rel @p2 .LBB2_4-.Ltmp3, $1  }
0xc4: {  	_ =	sdelay $0x3  }
0xc5: {  	s12 =	sld [smem:$0x7DF];
	_ =	sdelay $0x2  }
0xc6: {  	p2 =	seq.s32 s12, $0x1  }
0xc7: {  	s13 =	rddreg [dreg:$0x1c];
	s12 =	simm.s32 @!p2 $0x0  }
0xc8: {  	[tilespmem:s12], [sflag:$0x1] =	stream.linear.gather @!p2 [hbm4b:s13+s12], $0x8000, $0x38;
	[tilespmem:$0x8000] =	vst v63  }
0xc9: {  	s13 =	simm.s32 @!p2 $0x1  }
0xca: {  	_ =	swait.ge @!p2 [sflag:s13], $0x8000  }
0xcb: {  	[sflag:s13] =	ssyncset.done @!p2 $0x0  }
0xcc: {  	[sflag:s13] =	ssyncadd.s32 @!p2 $0xFFFF8000;
	s13 =	sld [smem:$0x7E1];
	_ =	sdelay $0x1  }
0xcd: {  	[hbm4b:s4+s12] =	stream.linear.scatter @!p2 [tilespmem:s12], [sflag:$0x2], $0x8000, $0x38;
	[tilespmem:$0x8000] =	vst v63  }
0xce: {  	p2 =	seq.s32 s13, $0x1  }
0xcf: {  	s13 =	rddreg [dreg:$0x1b];
	s12 =	simm.s32 @!p2 $0x0  }
0xd0: {  	[tilespmem:s12], [sflag:$0x1] =	stream.linear.gather @!p2 [hbm4b:s13+s12], $0x8000, $0x38;
	[tilespmem:$0x8000] =	vst v63  }
0xd1: {  	s13 =	simm.s32 @!p2 $0x1  }
0xd2: {  	_ =	swait.ge @!p2 [sflag:s13], $0x8000  }
0xd3: {  	[sflag:s13] =	ssyncset.done @!p2 $0x0  }
0xd4: {  	[sflag:s13] =	ssyncadd.s32 @!p2 $0xFFFF8000;
	s13 =	sld [smem:$0x7E3];
	_ =	sdelay $0x1  }
0xd5: {  	[hbm4b:s0+s12] =	stream.linear.scatter @!p2 [tilespmem:s12], [sflag:$0x2], $0x8000, $0x38;
	[tilespmem:$0x8000] =	vst v63  }
0xd6: {  	p2 =	seq.s32 s13, $0x1  }
0xd7: {  	s13 =	rddreg [dreg:$0x1e];
	s12 =	simm.s32 @!p2 $0x0  }
0xd8: {  	[tilespmem:s12], [sflag:$0x1] =	stream.linear.gather @!p2 [hbm4b:s13+s12], $0x8000, $0x38;
	[tilespmem:$0x8000] =	vst v63  }
0xd9: {  	s13 =	simm.s32 @!p2 $0x1  }
0xda: {  	_ =	swait.ge @!p2 [sflag:s13], $0x8000  }
0xdb: {  	[sflag:s13] =	ssyncset.done @!p2 $0x0  }
0xdc: {  	[sflag:s13] =	ssyncadd.s32 @!p2 $0xFFFF8000;
	s13 =	sld [smem:$0x7E4];
	_ =	sdelay $0x1  }
0xdd: {  	[hbm4b:s6+s12] =	stream.linear.scatter @!p2 [tilespmem:s12], [sflag:$0x2], $0x8000, $0x38;
	[tilespmem:$0x8000] =	vst v63  }
0xde: {  	p2 =	seq.s32 s13, $0x1  }
0xdf: {  	s13 =	rddreg [dreg:$0x1d];
	s12 =	simm.s32 @!p2 $0x0  }
0xe0: {  	[tilespmem:s12], [sflag:$0x1] =	stream.linear.gather @!p2 [hbm4b:s13+s12], $0x8000, $0x38;
	[tilespmem:$0x8000] =	vst v63  }
0xe1: {  	s13 =	simm.s32 @!p2 $0x1  }
0xe2: {  	_ =	swait.ge @!p2 [sflag:s13], $0x8000  }
0xe3: {  	[sflag:s13] =	ssyncset.done @!p2 $0x0  }
0xe4: {  	[sflag:s13] =	ssyncadd.s32 @!p2 $0xFFFF8000;
	s13 =	sld [smem:$0x7E5];
	_ =	sdelay $0x1  }
0xe5: {  	[hbm4b:s5+s12] =	stream.linear.scatter @!p2 [tilespmem:s12], [sflag:$0x2], $0x8000, $0x38;
	[tilespmem:$0x8000] =	vst v63  }
0xe6: {  	p2 =	seq.s32 s13, $0x1;
	s13 =	sld [smem:$0x7F4];
	_ =	sdelay $0x1  }
0xe7: {  	s12 =	simm.s32 @!p2 $0x0  }
0xe8: {  	[tilespmem:s12], [sflag:$0x1] =	stream.linear.gather @!p2 [hbm4b:s13+s12], $0x8000, $0x38;
	[tilespmem:$0x8000] =	vst v63  }
0xe9: {  	s13 =	simm.s32 @!p2 $0x1  }
0xea: {  	_ =	swait.ge @!p2 [sflag:s13], $0x8000  }
0xeb: {  	[sflag:s13] =	ssyncset.done @!p2 $0x0  }
0xec: {  	[sflag:s13] =	ssyncadd.s32 @!p2 $0xFFFF8000;
	s13 =	sld [smem:$0x7E6];
	_ =	sdelay $0x1  }
0xed: {  	[hbm4b:s9+s12] =	stream.linear.scatter @!p2 [tilespmem:s12], [sflag:$0x2], $0x8000, $0x38;
	[tilespmem:$0x8000] =	vst v63  }
0xee: {  	p2 =	seq.s32 s13, $0x1  }
0xef: {  	s13 =	rddreg [dreg:$0x1f];
	s12 =	simm.s32 @!p2 $0x0  }
0xf0: {  	[tilespmem:s12], [sflag:$0x1] =	stream.linear.gather @!p2 [hbm4b:s13+s12], $0x8000, $0x38;
	[tilespmem:$0x8000] =	vst v63  }
0xf1: {  	s13 =	simm.s32 @!p2 $0x1  }
0xf2: {  	_ =	swait.ge @!p2 [sflag:s13], $0x8000  }
0xf3: {  	[sflag:s13] =	ssyncset.done @!p2 $0x0  }
0xf4: {  	[sflag:s13] =	ssyncadd.s32 @!p2 $0xFFFF8000;
	s13 =	sld [smem:$0x7E8];
	_ =	sdelay $0x1  }
0xf5: {  	[hbm4b:s8+s12] =	stream.linear.scatter @!p2 [tilespmem:s12], [sflag:$0x2], $0x8000, $0x38;
	[tilespmem:$0x8000] =	vst v63  }
0xf6: {  	p2 =	seq.s32 s13, $0x1;
	s13 =	sld [smem:$0x7F6];
	_ =	sdelay $0x1  }
0xf7: {  	s12 =	simm.s32 @!p2 $0x0  }
0xf8: {  	[tilespmem:s12], [sflag:$0x1] =	stream.linear.gather @!p2 [hbm4b:s13+s12], $0x8000, $0x38;
	[tilespmem:$0x8000] =	vst v63  }
0xf9: {  	s13 =	simm.s32 @!p2 $0x1  }
0xfa: {  	_ =	swait.ge @!p2 [sflag:s13], $0x8000  }
0xfb: {  	[sflag:s13] =	ssyncset.done @!p2 $0x0  }
0xfc: {  	[sflag:s13] =	ssyncadd.s32 @!p2 $0xFFFF8000;
	s13 =	sld [smem:$0x7E9];
	_ =	sdelay $0x1  }
0xfd: {  	[hbm4b:s2+s12] =	stream.linear.scatter @!p2 [tilespmem:s12], [sflag:$0x2], $0x8000, $0x38;
	[tilespmem:$0x8000] =	vst v63  }
0xfe: {  	p2 =	seq.s32 s13, $0x1;
	s13 =	sld [smem:$0x7F5];
	_ =	sdelay $0x1  }
0xff: {  	s12 =	simm.s32 @!p2 $0x0  }
0x100: {  	[tilespmem:s12], [sflag:$0x1] =	stream.linear.gather @!p2 [hbm4b:s13+s12], $0x8000, $0x38;
	[tilespmem:$0x8000] =	vst v63  }
.Ltmp4:
0x101: {  	s13 =	simm.s32 @!p2 $0x1;
	(pc) =	sbr.rel .LBB2_8-.Ltmp4, $4  }
0x102: {  	_ =	swait.ge @!p2 [sflag:s13], $0x8000  }
0x103: {  	[sflag:s13] =	ssyncset.done @!p2 $0x0  }
0x104: {  	[sflag:s13] =	ssyncadd.s32 @!p2 $0xFFFF8000  }
0x105: {  	[hbm4b:s10+s12] =	stream.linear.scatter @!p2 [tilespmem:s12], [sflag:$0x2], $0x8000, $0x38;
	[tilespmem:$0x8000] =	vst v63  }
.LBB2_5:
0x106: {  	p2 =	sgt.s32 s1, $0x17  }
.Ltmp5:
0x107: {  	_ = 	snop;
	(pc) =	sbr.rel @p2 .LBB2_7-.Ltmp5, $1  }
0x108: {  	_ =	sdelay $0x3  }
0x109: {  	p2 =	sgt.s32 s1, $0x13  }
0x10a: {  	p3 =	sgt.s32 @p2 s1, $0x15  }
0x10b: {  	p4 =	por !p3, !p2  }
0x10c: {  	p4 =	seq.s32 @!p4 s1, $0x16  }
0x10d: {  	p5 =	por @p2 !p4, !p3  }
0x10e: {  	p5 =	por p5, !p2  }
0x10f: {  	s13 =	rddreg [dreg:$0xc];
	s12 =	simm.s32 @!p5 $0x0  }
0x110: {  	[tilespmem:s12], [sflag:$0x1] =	stream.linear.gather @!p5 [hbm4b:s13+s12], $0x8000, $0x38;
	[tilespmem:$0x8000] =	vst v63  }
0x111: {  	s13 =	simm.s32 @!p5 $0x1  }
0x112: {  	_ =	swait.ge @!p5 [sflag:s13], $0x8000  }
0x113: {  	p4 =	por @p2 p4, !p3;
	[sflag:s13] =	ssyncset.done @!p5 $0x0  }
0x114: {  	p4 =	por p4, !p2;
	[sflag:s13] =	ssyncadd.s32 @!p5 $0xFFFF8000  }
0x115: {  	[hbm4b:s17+s12] =	stream.linear.scatter @!p5 [tilespmem:s12], [sflag:$0x2], $0x8000, $0x38;
	[tilespmem:$0x8000] =	vst v63  }
0x116: {  	s13 =	rddreg [dreg:$0xb];
	s12 =	simm.s32 @!p4 $0x0  }
0x117: {  	[tilespmem:s12], [sflag:$0x1] =	stream.linear.gather @!p4 [hbm4b:s13+s12], $0x8000, $0x38;
	[tilespmem:$0x8000] =	vst v63  }
0x118: {  	s13 =	simm.s32 @!p4 $0x1  }
0x119: {  	_ =	swait.ge @!p4 [sflag:s13], $0x8000  }
0x11a: {  	[sflag:s13] =	ssyncset.done @!p4 $0x0  }
0x11b: {  	[sflag:s13] =	ssyncadd.s32 @!p4 $0xFFFF8000  }
0x11c: {  	[hbm4b:s16+s12] =	stream.linear.scatter @!p4 [tilespmem:s12], [sflag:$0x2], $0x8000, $0x38;
	[tilespmem:$0x8000] =	vst v63  }
0x11d: {  	p4 =	por p3, !p2  }
0x11e: {  	p4 =	seq.s32 @!p4 s1, $0x14  }
0x11f: {  	p5 =	por @p2 !p4, p3  }
0x120: {  	p5 =	por p5, !p2  }
0x121: {  	s13 =	rddreg [dreg:$0xe];
	s12 =	simm.s32 @!p5 $0x0  }
0x122: {  	[tilespmem:s12], [sflag:$0x1] =	stream.linear.gather @!p5 [hbm4b:s13+s12], $0x8000, $0x38;
	[tilespmem:$0x8000] =	vst v63  }
0x123: {  	s13 =	simm.s32 @!p5 $0x1  }
0x124: {  	_ =	swait.ge @!p5 [sflag:s13], $0x8000  }
0x125: {  	p3 =	por @p2 p4, p3;
	[sflag:s13] =	ssyncset.done @!p5 $0x0  }
0x126: {  	p3 =	por p3, !p2;
	[sflag:s13] =	ssyncadd.s32 @!p5 $0xFFFF8000  }
0x127: {  	[hbm4b:s19+s12] =	stream.linear.scatter @!p5 [tilespmem:s12], [sflag:$0x2], $0x8000, $0x38;
	[tilespmem:$0x8000] =	vst v63  }
0x128: {  	s13 =	rddreg [dreg:$0xd];
	s12 =	simm.s32 @!p3 $0x0  }
0x129: {  	[tilespmem:s12], [sflag:$0x1] =	stream.linear.gather @!p3 [hbm4b:s13+s12], $0x8000, $0x38;
	[tilespmem:$0x8000] =	vst v63  }
0x12a: {  	s13 =	simm.s32 @!p3 $0x1  }
0x12b: {  	_ =	swait.ge @!p3 [sflag:s13], $0x8000  }
0x12c: {  	[sflag:s13] =	ssyncset.done @!p3 $0x0  }
0x12d: {  	[sflag:s13] =	ssyncadd.s32 @!p3 $0xFFFF8000  }
0x12e: {  	[hbm4b:s18+s12] =	stream.linear.scatter @!p3 [tilespmem:s12], [sflag:$0x2], $0x8000, $0x38;
	[tilespmem:$0x8000] =	vst v63  }
0x12f: {  	p3 =	sgt.s32 @!p2 s1, $0x11  }
0x130: {  	p4 =	por !p3, p2  }
0x131: {  	p4 =	seq.s32 @!p4 s1, $0x12  }
0x132: {  	p5 =	por @!p2 !p4, !p3  }
0x133: {  	p5 =	por p5, p2  }
0x134: {  	s13 =	rddreg [dreg:$0x10];
	s12 =	simm.s32 @!p5 $0x0  }
0x135: {  	[tilespmem:s12], [sflag:$0x1] =	stream.linear.gather @!p5 [hbm4b:s13+s12], $0x8000, $0x38;
	[tilespmem:$0x8000] =	vst v63  }
0x136: {  	s13 =	simm.s32 @!p5 $0x1  }
0x137: {  	_ =	swait.ge @!p5 [sflag:s13], $0x8000  }
0x138: {  	p4 =	por @!p2 p4, !p3;
	[sflag:s13] =	ssyncset.done @!p5 $0x0  }
0x139: {  	p4 =	por p4, p2;
	[sflag:s13] =	ssyncadd.s32 @!p5 $0xFFFF8000  }
0x13a: {  	[hbm4b:s21+s12] =	stream.linear.scatter @!p5 [tilespmem:s12], [sflag:$0x2], $0x8000, $0x38;
	[tilespmem:$0x8000] =	vst v63  }
0x13b: {  	s13 =	rddreg [dreg:$0xf];
	s12 =	simm.s32 @!p4 $0x0  }
0x13c: {  	[tilespmem:s12], [sflag:$0x1] =	stream.linear.gather @!p4 [hbm4b:s13+s12], $0x8000, $0x38;
	[tilespmem:$0x8000] =	vst v63  }
0x13d: {  	s13 =	simm.s32 @!p4 $0x1  }
0x13e: {  	_ =	swait.ge @!p4 [sflag:s13], $0x8000  }
0x13f: {  	[sflag:s13] =	ssyncset.done @!p4 $0x0  }
0x140: {  	[sflag:s13] =	ssyncadd.s32 @!p4 $0xFFFF8000  }
0x141: {  	[hbm4b:s20+s12] =	stream.linear.scatter @!p4 [tilespmem:s12], [sflag:$0x2], $0x8000, $0x38;
	[tilespmem:$0x8000] =	vst v63  }
0x142: {  	p4 =	por p3, p2  }
0x143: {  	p4 =	seq.s32 @!p4 s1, $0x10  }
0x144: {  	p5 =	por @!p2 !p4, p3  }
0x145: {  	p5 =	por p5, p2  }
0x146: {  	s13 =	rddreg [dreg:$0x12];
	s12 =	simm.s32 @!p5 $0x0  }
0x147: {  	[tilespmem:s12], [sflag:$0x1] =	stream.linear.gather @!p5 [hbm4b:s13+s12], $0x8000, $0x38;
	[tilespmem:$0x8000] =	vst v63  }
0x148: {  	s13 =	simm.s32 @!p5 $0x1  }
0x149: {  	_ =	swait.ge @!p5 [sflag:s13], $0x8000  }
0x14a: {  	p3 =	por @!p2 p4, p3;
	[sflag:s13] =	ssyncset.done @!p5 $0x0  }
0x14b: {  	p2 =	por p3, p2;
	[sflag:s13] =	ssyncadd.s32 @!p5 $0xFFFF8000  }
0x14c: {  	[hbm4b:s23+s12] =	stream.linear.scatter @!p5 [tilespmem:s12], [sflag:$0x2], $0x8000, $0x38;
	[tilespmem:$0x8000] =	vst v63  }
0x14d: {  	s13 =	rddreg [dreg:$0x11];
	s12 =	simm.s32 @!p2 $0x0  }
0x14e: {  	[tilespmem:s12], [sflag:$0x1] =	stream.linear.gather @!p2 [hbm4b:s13+s12], $0x8000, $0x38;
	[tilespmem:$0x8000] =	vst v63  }
.Ltmp6:
0x14f: {  	s13 =	simm.s32 @!p2 $0x1;
	(pc) =	sbr.rel .LBB2_8-.Ltmp6, $4  }
0x150: {  	_ =	swait.ge @!p2 [sflag:s13], $0x8000  }
0x151: {  	[sflag:s13] =	ssyncset.done @!p2 $0x0  }
0x152: {  	[sflag:s13] =	ssyncadd.s32 @!p2 $0xFFFF8000  }
0x153: {  	[hbm4b:s22+s12] =	stream.linear.scatter @!p2 [tilespmem:s12], [sflag:$0x2], $0x8000, $0x38;
	[tilespmem:$0x8000] =	vst v63  }
.LBB2_4:
0x154: {  	s12 =	sld [smem:$0x7EB];
	_ =	sdelay $0x2  }
0x155: {  	p2 =	seq.s32 s12, $0x1  }
0x156: {  	s13 =	rddreg [dreg:$0x14];
	s12 =	simm.s32 @!p2 $0x0  }
0x157: {  	[tilespmem:s12], [sflag:$0x1] =	stream.linear.gather @!p2 [hbm4b:s13+s12], $0x8000, $0x38;
	[tilespmem:$0x8000] =	vst v63  }
0x158: {  	s13 =	simm.s32 @!p2 $0x1  }
0x159: {  	_ =	swait.ge @!p2 [sflag:s13], $0x8000  }
0x15a: {  	[sflag:s13] =	ssyncset.done @!p2 $0x0  }
0x15b: {  	[sflag:s13] =	ssyncadd.s32 @!p2 $0xFFFF8000;
	s13 =	sld [smem:$0x7ED];
	_ =	sdelay $0x1  }
0x15c: {  	[hbm4b:s25+s12] =	stream.linear.scatter @!p2 [tilespmem:s12], [sflag:$0x2], $0x8000, $0x38;
	[tilespmem:$0x8000] =	vst v63  }
0x15d: {  	p2 =	seq.s32 s13, $0x1  }
0x15e: {  	s13 =	rddreg [dreg:$0x13];
	s12 =	simm.s32 @!p2 $0x0  }
0x15f: {  	[tilespmem:s12], [sflag:$0x1] =	stream.linear.gather @!p2 [hbm4b:s13+s12], $0x8000, $0x38;
	[tilespmem:$0x8000] =	vst v63  }
0x160: {  	s13 =	simm.s32 @!p2 $0x1  }
0x161: {  	_ =	swait.ge @!p2 [sflag:s13], $0x8000  }
0x162: {  	[sflag:s13] =	ssyncset.done @!p2 $0x0  }
0x163: {  	[sflag:s13] =	ssyncadd.s32 @!p2 $0xFFFF8000;
	s13 =	sld [smem:$0x7EF];
	_ =	sdelay $0x1  }
0x164: {  	[hbm4b:s24+s12] =	stream.linear.scatter @!p2 [tilespmem:s12], [sflag:$0x2], $0x8000, $0x38;
	[tilespmem:$0x8000] =	vst v63  }
0x165: {  	p2 =	seq.s32 s13, $0x1  }
0x166: {  	s13 =	rddreg [dreg:$0x16];
	s12 =	simm.s32 @!p2 $0x0  }
0x167: {  	[tilespmem:s12], [sflag:$0x1] =	stream.linear.gather @!p2 [hbm4b:s13+s12], $0x8000, $0x38;
	[tilespmem:$0x8000] =	vst v63  }
0x168: {  	s13 =	simm.s32 @!p2 $0x1  }
0x169: {  	_ =	swait.ge @!p2 [sflag:s13], $0x8000  }
0x16a: {  	[sflag:s13] =	ssyncset.done @!p2 $0x0  }
0x16b: {  	[sflag:s13] =	ssyncadd.s32 @!p2 $0xFFFF8000;
	s13 =	sld [smem:$0x7F0];
	_ =	sdelay $0x1  }
0x16c: {  	[hbm4b:s28+s12] =	stream.linear.scatter @!p2 [tilespmem:s12], [sflag:$0x2], $0x8000, $0x38;
	[tilespmem:$0x8000] =	vst v63  }
0x16d: {  	p2 =	seq.s32 s13, $0x1  }
0x16e: {  	s13 =	rddreg [dreg:$0x15];
	s12 =	simm.s32 @!p2 $0x0  }
0x16f: {  	[tilespmem:s12], [sflag:$0x1] =	stream.linear.gather @!p2 [hbm4b:s13+s12], $0x8000, $0x38;
	[tilespmem:$0x8000] =	vst v63  }
0x170: {  	s13 =	simm.s32 @!p2 $0x1  }
0x171: {  	_ =	swait.ge @!p2 [sflag:s13], $0x8000  }
0x172: {  	[sflag:s13] =	ssyncset.done @!p2 $0x0  }
0x173: {  	[sflag:s13] =	ssyncadd.s32 @!p2 $0xFFFF8000;
	s13 =	sld [smem:$0x7F1];
	_ =	sdelay $0x1  }
0x174: {  	[hbm4b:s26+s12] =	stream.linear.scatter @!p2 [tilespmem:s12], [sflag:$0x2], $0x8000, $0x38;
	[tilespmem:$0x8000] =	vst v63  }
0x175: {  	p2 =	seq.s32 s13, $0x1  }
0x176: {  	s13 =	rddreg [dreg:$0x18];
	s12 =	simm.s32 @!p2 $0x0  }
0x177: {  	[tilespmem:s12], [sflag:$0x1] =	stream.linear.gather @!p2 [hbm4b:s13+s12], $0x8000, $0x38;
	[tilespmem:$0x8000] =	vst v63  }
0x178: {  	s13 =	simm.s32 @!p2 $0x1  }
0x179: {  	_ =	swait.ge @!p2 [sflag:s13], $0x8000  }
0x17a: {  	[sflag:s13] =	ssyncset.done @!p2 $0x0  }
0x17b: {  	[sflag:s13] =	ssyncadd.s32 @!p2 $0xFFFF8000;
	s13 =	sld [smem:$0x7F3];
	_ =	sdelay $0x1  }
0x17c: {  	[hbm4b:s30+s12] =	stream.linear.scatter @!p2 [tilespmem:s12], [sflag:$0x2], $0x8000, $0x38;
	[tilespmem:$0x8000] =	vst v63  }
0x17d: {  	p2 =	seq.s32 s13, $0x1  }
0x17e: {  	s13 =	rddreg [dreg:$0x17];
	s12 =	simm.s32 @!p2 $0x0  }
0x17f: {  	[tilespmem:s12], [sflag:$0x1] =	stream.linear.gather @!p2 [hbm4b:s13+s12], $0x8000, $0x38;
	[tilespmem:$0x8000] =	vst v63  }
0x180: {  	s13 =	simm.s32 @!p2 $0x1  }
0x181: {  	_ =	swait.ge @!p2 [sflag:s13], $0x8000  }
0x182: {  	[sflag:s13] =	ssyncset.done @!p2 $0x0  }
0x183: {  	[sflag:s13] =	ssyncadd.s32 @!p2 $0xFFFF8000  }
0x184: {  	[hbm4b:s29+s12] =	stream.linear.scatter @!p2 [tilespmem:s12], [sflag:$0x2], $0x8000, $0x38;
	[tilespmem:$0x8000] =	vst v63  }
0x185: {  	s13 =	rddreg [dreg:$0x1a];
	s12 =	simm.s32 @!p0 $0x0  }
0x186: {  	[tilespmem:s12], [sflag:$0x1] =	stream.linear.gather @!p0 [hbm4b:s13+s12], $0x8000, $0x38;
	[tilespmem:$0x8000] =	vst v63  }
0x187: {  	s13 =	simm.s32 @!p0 $0x1  }
0x188: {  	_ =	swait.ge @!p0 [sflag:s13], $0x8000  }
0x189: {  	[sflag:s13] =	ssyncset.done @!p0 $0x0  }
0x18a: {  	[sflag:s13] =	ssyncadd.s32 @!p0 $0xFFFF8000  }
0x18b: {  	[hbm4b:s3+s12] =	stream.linear.scatter @!p0 [tilespmem:s12], [sflag:$0x2], $0x8000, $0x38;
	[tilespmem:$0x8000] =	vst v63  }
0x18c: {  	s13 =	rddreg [dreg:$0x19];
	s12 =	simm.s32 @!p1 $0x0  }
0x18d: {  	[tilespmem:s12], [sflag:$0x1] =	stream.linear.gather @!p1 [hbm4b:s13+s12], $0x8000, $0x38;
	[tilespmem:$0x8000] =	vst v63  }
.Ltmp7:
0x18e: {  	s13 =	simm.s32 @!p1 $0x1;
	(pc) =	sbr.rel .LBB2_8-.Ltmp7, $4  }
0x18f: {  	_ =	swait.ge @!p1 [sflag:s13], $0x8000  }
0x190: {  	[sflag:s13] =	ssyncset.done @!p1 $0x0  }
0x191: {  	[sflag:s13] =	ssyncadd.s32 @!p1 $0xFFFF8000  }
0x192: {  	[hbm4b:s31+s12] =	stream.linear.scatter @!p1 [tilespmem:s12], [sflag:$0x2], $0x8000, $0x38;
	[tilespmem:$0x8000] =	vst v63  }
.LBB2_9:
0x193: {  	_ =	sfence.sel $0x180000  }
0x194: {  	[bflag:$0x0] =	sbarrier.arrive $0xFFFF  }
0x195: {  	_ =	strace $0x90000047  }
0x196: {  	s0 =	stileid.u32;
	[bflag:$0x2] =	sbarrier.arrive $0xFFFF  }
0x197: {  	p0 =	sne.s32 s0, $0x0;
	s0 =	rddreg [dreg:$0x2]  }
0x198: {  	s0 =	sadd.s32 @!p0 $0x100000, s0  }
0x199: {  	[sflag:s0] =	ssyncadd.tile.s32 @!p0 $0x1;
	_ =	shalt  }
.Lfunc_end2:
_tile_overlayer_lowered:
.L_overlay_start_2:
0x19a: {  	(tag) =	ssettag $0x2  }
0x19b: {  	s0 =	rddreg [dreg:$0x0];
	s2 =	stileid.u32  }
0x19c: {  	s1 =	rddreg [dreg:$0x1];
	p0 =	sne.s32 s2, $0x0  }
0x19d: {  	s3 =	rddreg [dreg:$0x2];
	[bflag:$0x3] =	sbarrier.arrive $0xFFFF;
	s2 =	simm.s32 @!p0 $0x1C02  }
0x19e: {  	[timem:s3], [sflag:s2] =	dma.local @!p0 [hbm:s0], s1  }
0x19f: {  	s0 =	simm.s32 @!p0 $0x2  }
0x1a0: {  	_ =	swait.ge @!p0 [sflag:s0], s1  }
0x1a1: {  	s1 =	ssub.s32 @!p0 $0x0, s1;
	[sflag:s0] =	ssyncset.done @!p0 $0x0  }
0x1a2: {  	[sflag:s0] =	ssyncadd.s32 @!p0 s1  }
0x1a3: {  	[bflag:$0x3] =	sbarrier.arrive $0xFFFF  }
0x1a4: {  	_ =	shalt  }

</sc_bundles>
